<compile_context>
chip_gen: v7x
topology: tpu7x:2x2x1
jax: 0.10.2.dev20260603
libtpu: 0.0.44.dev20260713+nightly
codegen_flags: <defaults>
</compile_context>

<pallas_src>
import jax
import jax.numpy as jnp
from jax import lax
from jax.experimental import pallas as pl
from jax.experimental.pallas import tpu as pltpu
from jax.experimental.pallas import tpu_sc as plsc

_W = 512
_H = 512
_NBX = 512
_NBY = 512
_BIN_AREA = ((512.0 - 0.0) / _NBX) * ((512.0 - 0.0) / _NBY)

_NC = 2
_NS = 16
_L = 16
_NW = _NC * _NS
_RPW = _W // _NW
_CCH = _H // _L
_BAND = _RPW * _H
_PAD = 8


def _wcoef(n):
    w0 = jnp.maximum(jnp.minimum(n, 1.0), 0.0)
    w1 = jnp.maximum(jnp.minimum(n - 1.0, 1.0), 0.0)
    return w0, w1


def _sc_body(nsx_hbm, nsy_hbm, site_hbm, o1_hbm, o2_hbm, o3_hbm,
             site_v, ns_v, o1_v, o2_v, o3_v, sem0, sem1, sem2):
    wid = lax.axis_index("s") * _NC + lax.axis_index("c")
    base = wid * _BAND

    half = _BAND // 2
    cx = pltpu.async_copy(nsx_hbm, ns_v.at[pl.ds(0, 4)], sem0)
    cy = pltpu.async_copy(nsy_hbm, ns_v.at[pl.ds(8, 4)], sem1)
    ch0 = pltpu.async_copy(site_hbm.at[pl.ds(base, half)],
                           site_v.at[pl.ds(_PAD + _H, half)], sem2)
    ch1 = pltpu.async_copy(site_hbm.at[pl.ds(base + half, half)],
                           site_v.at[pl.ds(_PAD + _H + half, half)], sem2)

    @pl.when(wid > 0)
    def _():
        pltpu.sync_copy(site_hbm.at[pl.ds(base - _H, _H)],
                        site_v.at[pl.ds(_PAD, _H)])

    @pl.when(wid == 0)
    def _():
        z = jnp.zeros((_L,), jnp.int32)

        def zero_chunk(i, c):
            site_v[pl.ds(_PAD + i * _L, _L)] = z
            return c

        lax.fori_loop(0, _CCH, zero_chunk, 0)

    cx.wait()
    cy.wait()

    def vgather(x, idx):
        return lax.gather(
            x, idx[:, None],
            lax.GatherDimensionNumbers(
                offset_dims=(), collapsed_slice_dims=(0,), start_index_map=(0,)),
            (1,), mode=lax.GatherScatterMode.PROMISE_IN_BOUNDS)

    ns = ns_v[pl.ds(0, _L)]
    zf = jnp.zeros((_L,), jnp.float32)
    coefs = []
    for lane in (0, 2, 3):
        w0, w1 = _wcoef(vgather(ns, jnp.full((_L,), lane, jnp.int32)))
        h0, h1 = _wcoef(vgather(ns, jnp.full((_L,), 8 + lane, jnp.int32)))
        coefs.append((w0 * h0, w1 * h0, w0 * h1, w1 * h1))

    iota = lax.broadcasted_iota(jnp.int32, (_L,), 0)
    outs = (o1_v, o2_v, o3_v)

    def process_rows(r0, nrows):
        @plsc.parallel_loop(0, _CCH, unroll=2)
        def col_chunk(v):
            cb = v * _L
            jmf = jnp.where((cb + iota) > 0, 1.0, 0.0)
            cj = [(c00, c10, c01 * jmf, c11 * jmf) for c00, c10, c01, c11 in coefs]

            def terms(off):
                s = site_v[pl.ds(_PAD + off, _L)]
                s_l = site_v[pl.ds(_PAD + off - 1, _L)]
                own, up = [], []
                for t in (1, 2, 3):
                    c00, c10, c01j, c11j = cj[t - 1]
                    e = s == t
                    el = s_l == t
                    own.append(jnp.where(e, c00, zf) + jnp.where(el, c01j, zf))
                    up.append(jnp.where(e, c10, zf) + jnp.where(el, c11j, zf))
                return own, up

            def row(r, carry):
                p_up = carry
                own, up = terms((r + 1) * _H + cb)
                for t in range(3):
                    outs[t][pl.ds(r * _H + cb, _L)] = _BIN_AREA - (own[t] + p_up[t])
                return tuple(up)

            _, up0 = terms(r0 * _H + cb)
            lax.fori_loop(r0, r0 + nrows, row, tuple(up0), unroll=2)

    ch0.wait()
    ch1.wait()
    process_rows(0, _RPW)
    pend = [pltpu.async_copy(o_v, o_hbm.at[pl.ds(base, _BAND)], sem0)
            for o_v, o_hbm in ((o1_v, o1_hbm), (o2_v, o2_hbm), (o3_v, o3_hbm))]
    for p in pend:
        p.wait()


def _sc_call(site_flat, nsx, nsy):
    out = jax.ShapeDtypeStruct((_NBX * _NBY,), jnp.float32)
    f = pl.kernel(
        _sc_body,
        mesh=plsc.VectorSubcoreMesh(core_axis_name="c", subcore_axis_name="s",
                                    num_cores=_NC),
        out_type=(out, out, out),
        scratch_types=[
            pltpu.VMEM((_PAD + (_RPW + 1) * _H,), jnp.int32),
            pltpu.VMEM((_L,), jnp.float32),
            pltpu.VMEM((_BAND,), jnp.float32),
            pltpu.VMEM((_BAND,), jnp.float32),
            pltpu.VMEM((_BAND,), jnp.float32),
            pltpu.SemaphoreType.DMA,
            pltpu.SemaphoreType.DMA,
            pltpu.SemaphoreType.DMA,
        ],
    )
    return f(nsx, nsy, site_flat)


def kernel(site_type_map, node_size_x, node_size_y):
    a, b, c = _sc_call(site_type_map.reshape(-1),
                       node_size_x.astype(jnp.float32),
                       node_size_y.astype(jnp.float32))
    a = a.reshape(_NBX, _NBY)
    b = b.reshape(_NBX, _NBY)
    c = c.reshape(_NBX, _NBY)
    return (a, a, a, a, a, b, c)

# --- scband reference (transcript-rebuilt; emitter-appended) ---
"""Pipeline reference for scband-demand-map-33921651704719 (READ-ONLY COPY).

The authoritative reference and input builder live on the scoring server;
editing this copy changes nothing except your own understanding.
"""

import jax, jax.numpy as jnp
import numpy as np

NUM_BINS_X = 512
NUM_BINS_Y = 512
WIDTH = 512
HEIGHT = 512
XH, XL, YH, YL = 512.0, 0.0, 512.0, 0.0


def setup_inputs(seed: int = 0):
    key = jax.random.key(seed)
    k1, _ = jax.random.split(key)
    site_type_map = jax.random.randint(k1, (WIDTH, HEIGHT), 0, 4, dtype=jnp.int32)
    node_size_x = jnp.ones((4,), dtype=jnp.float32)
    node_size_y = jnp.ones((4,), dtype=jnp.float32)
    return {"site_type_map": site_type_map, "node_size_x": node_size_x, "node_size_y": node_size_y}


def _cap_map(site_flat, nodeX, nodeY, type_id, KX, KY):
    # Faithful to DREAMPlaceFPGA demandMap kernel: each site of matching
    # type spreads its nodeX*nodeY area across overlapping bins.
    binW = int(np.ceil(float(WIDTH) / NUM_BINS_X))
    binH = int(np.ceil(float(HEIGHT) / NUM_BINS_Y))
    s = jnp.arange(WIDTH * HEIGHT)
    rw = s // HEIGHT
    cl = s % HEIGHT
    mask = (site_flat == type_id).astype(jnp.float32)
    iLo = rw // binW
    jLo = cl // binH
    rwf = rw.astype(jnp.float32)
    clf = cl.astype(jnp.float32)
    flat = jnp.zeros((NUM_BINS_X * NUM_BINS_Y,), dtype=jnp.float32)
    for di in range(KX):
        i = iLo + di
        w = jnp.minimum((i + 1).astype(jnp.float32) * binW, rwf + nodeX) - jnp.maximum(i.astype(jnp.float32) * binW, rwf)
        w = jnp.maximum(w, 0.0)
        vi = (i <= NUM_BINS_X - 1)
        for dj in range(KY):
            j = jLo + dj
            h = jnp.minimum((j + 1).astype(jnp.float32) * binH, clf + nodeY) - jnp.maximum(j.astype(jnp.float32) * binH, clf)
            h = jnp.maximum(h, 0.0)
            valid = (vi & (j <= NUM_BINS_Y - 1)).astype(jnp.float32)
            area = w * h * mask * valid
            idx = jnp.clip(i, 0, NUM_BINS_X - 1) * NUM_BINS_Y + jnp.clip(j, 0, NUM_BINS_Y - 1)
            flat = flat.at[idx].add(area)
    return flat.reshape(NUM_BINS_X, NUM_BINS_Y)


def reference(site_type_map, node_size_x, node_size_y):
    site_flat = site_type_map.reshape(-1)
    binW = int(np.ceil(float(WIDTH) / NUM_BINS_X))
    binH = int(np.ceil(float(HEIGHT) / NUM_BINS_Y))

    def win(v, b):
        return int(np.ceil(float(v) / b)) + 1

    NODE_SIZE_CONST = 1.0
    KX = win(NODE_SIZE_CONST, binW)
    KY = win(NODE_SIZE_CONST, binH)

    # site type 1 -> SLICE (LUT/FF) uses sizes[0]; type 2 -> DSP uses sizes[2];
    # type 3 -> RAM uses sizes[3]
    cap0 = _cap_map(site_flat, node_size_x[0], node_size_y[0], 1, KX, KY)
    cap1 = cap0  # kernel adds identical area to binCapMap0 and binCapMap1
    cap5 = _cap_map(site_flat, node_size_x[2], node_size_y[2], 2, KX, KY)
    cap6 = _cap_map(site_flat, node_size_x[3], node_size_y[3], 3, KX, KY)
    cap2 = cap0
    cap3 = cap0
    cap4 = cap0
    binX = (XH - XL) / NUM_BINS_X
    binY = (YH - YL) / NUM_BINS_Y
    binArea = binX * binY
    return (binArea - cap0, binArea - cap1, binArea - cap2, binArea - cap3,
            binArea - cap4, binArea - cap5, binArea - cap6)

if __name__ == "__main__":
    import jax
    _d = setup_inputs()
    print(jax.jit(kernel)(*tuple(_d.values())))

</pallas_src>

<mosaic_0001>
#map = affine_map<(d0, d1) -> (0)>
module attributes {stable_mosaic.version = 14 : i64} {
  func.func @_sc_body(%arg0: i32, %arg1: i32, %arg2: memref<4xf32, #tpu.memory_space<hbm>>, %arg3: memref<4xf32, #tpu.memory_space<hbm>>, %arg4: memref<262144xi32, #tpu.memory_space<hbm>>, %arg5: memref<262144xf32, #tpu.memory_space<hbm>>, %arg6: memref<262144xf32, #tpu.memory_space<hbm>>, %arg7: memref<262144xf32, #tpu.memory_space<hbm>>, %arg8: memref<8712xi32, #tpu.memory_space<vmem>>, %arg9: memref<16xf32, #tpu.memory_space<vmem>>, %arg10: memref<8192xf32, #tpu.memory_space<vmem>>, %arg11: memref<8192xf32, #tpu.memory_space<vmem>>, %arg12: memref<8192xf32, #tpu.memory_space<vmem>>, %arg13: memref<!tpu.dma_semaphore, #tpu.memory_space<semaphore_mem>>, %arg14: memref<!tpu.dma_semaphore, #tpu.memory_space<semaphore_mem>>, %arg15: memref<!tpu.dma_semaphore, #tpu.memory_space<semaphore_mem>>) attributes {dimension_semantics = [#tpu.dimension_semantics<core_parallel>, #tpu.dimension_semantics<subcore_parallel>], iteration_bounds = array<i64: 2, 16>, scalar_prefetch = 0 : i64, scratch_operands = 8 : i64, tpu.core_type = #tpu.core_type<sc_vector_subcore>, window_params = [{transform_indices = #map}, {transform_indices = #map}, {transform_indices = #map}, {transform_indices = #map}, {transform_indices = #map}, {transform_indices = #map}]} {
    %mul3A = arith.constant 2 : i32
    %mul3A_0 = arith.muli %arg1, %mul3A : i32
    %add3A = arith.addi %mul3A_0, %arg0 : i32
    %mul3A_1 = arith.constant 8192 : i32
    %mul3A_2 = arith.muli %add3A, %mul3A_1 : i32
    %dma_start3A = arith.constant 0 : i32
    %dma_start3A_3 = tpu.memref_slice %arg9[%dma_start3A] : memref<16xf32, #tpu.memory_space<vmem>> -> memref<4xf32, #tpu.memory_space<vmem>>
    %dma_start3A_4 = arith.constant 0 : i32
    %dma_start3A_5 = tpu.memref_slice %arg9[%dma_start3A_4] : memref<16xf32, #tpu.memory_space<vmem>> -> memref<4xf32, #tpu.memory_space<vmem>>
    tpu.enqueue_dma source(%arg2 : memref<4xf32, #tpu.memory_space<hbm>>) target(%dma_start3A_5 : memref<4xf32, #tpu.memory_space<vmem>>) target_semaphore(%arg13 : memref<!tpu.dma_semaphore, #tpu.memory_space<semaphore_mem>>)
    %dma_start3A_6 = arith.constant 8 : i32
    %dma_start3A_7 = tpu.memref_slice %arg9[%dma_start3A_6] : memref<16xf32, #tpu.memory_space<vmem>> -> memref<4xf32, #tpu.memory_space<vmem>>
    %dma_start3A_8 = arith.constant 8 : i32
    %dma_start3A_9 = tpu.memref_slice %arg9[%dma_start3A_8] : memref<16xf32, #tpu.memory_space<vmem>> -> memref<4xf32, #tpu.memory_space<vmem>>
    tpu.enqueue_dma source(%arg3 : memref<4xf32, #tpu.memory_space<hbm>>) target(%dma_start3A_9 : memref<4xf32, #tpu.memory_space<vmem>>) target_semaphore(%arg14 : memref<!tpu.dma_semaphore, #tpu.memory_space<semaphore_mem>>)
    %dma_start3A_10 = arith.constant 520 : i32
    %dma_start3A_11 = tpu.memref_slice %arg8[%dma_start3A_10] : memref<8712xi32, #tpu.memory_space<vmem>> -> memref<4096xi32, #tpu.memory_space<vmem>>
    %dma_start3A_12 = tpu.memref_slice %arg4[%mul3A_2] : memref<262144xi32, #tpu.memory_space<hbm>> -> memref<4096xi32, #tpu.memory_space<hbm>>
    %dma_start3A_13 = arith.constant 520 : i32
    %dma_start3A_14 = tpu.memref_slice %arg8[%dma_start3A_13] : memref<8712xi32, #tpu.memory_space<vmem>> -> memref<4096xi32, #tpu.memory_space<vmem>>
    %dma_start3A_15 = tpu.memref_slice %arg4[%mul3A_2] : memref<262144xi32, #tpu.memory_space<hbm>> -> memref<4096xi32, #tpu.memory_space<hbm>>
    tpu.enqueue_dma source(%dma_start3A_15 : memref<4096xi32, #tpu.memory_space<hbm>>) target(%dma_start3A_14 : memref<4096xi32, #tpu.memory_space<vmem>>) target_semaphore(%arg15 : memref<!tpu.dma_semaphore, #tpu.memory_space<semaphore_mem>>)
    %add3A_16 = arith.constant 4096 : i32
    %add3A_17 = arith.addi %mul3A_2, %add3A_16 : i32
    %dma_start3A_18 = arith.constant 4616 : i32
    %dma_start3A_19 = tpu.memref_slice %arg8[%dma_start3A_18] : memref<8712xi32, #tpu.memory_space<vmem>> -> memref<4096xi32, #tpu.memory_space<vmem>>
    %dma_start3A_20 = tpu.memref_slice %arg4[%add3A_17] : memref<262144xi32, #tpu.memory_space<hbm>> -> memref<4096xi32, #tpu.memory_space<hbm>>
    %dma_start3A_21 = arith.constant 4616 : i32
    %dma_start3A_22 = tpu.memref_slice %arg8[%dma_start3A_21] : memref<8712xi32, #tpu.memory_space<vmem>> -> memref<4096xi32, #tpu.memory_space<vmem>>
    %dma_start3A_23 = tpu.memref_slice %arg4[%add3A_17] : memref<262144xi32, #tpu.memory_space<hbm>> -> memref<4096xi32, #tpu.memory_space<hbm>>
    tpu.enqueue_dma source(%dma_start3A_23 : memref<4096xi32, #tpu.memory_space<hbm>>) target(%dma_start3A_22 : memref<4096xi32, #tpu.memory_space<vmem>>) target_semaphore(%arg15 : memref<!tpu.dma_semaphore, #tpu.memory_space<semaphore_mem>>)
    %gt3A = arith.constant 0 : i32
    %gt3A_24 = arith.cmpi sgt, %add3A, %gt3A : i32
    %convert_element_type3A = arith.extui %gt3A_24 : i1 to i32
    %cond3A = arith.constant 0 : i32
    %cond3A_25 = arith.cmpi ne, %convert_element_type3A, %cond3A : i32
    scf.if %cond3A_25 {
      %sub3A_194 = arith.constant 512 : i32
      %sub3A_195 = arith.subi %mul3A_2, %sub3A_194 : i32
      "tpu.region"() ({
        %run_scoped3A = tpu.sem_alloc : memref<!tpu.dma_semaphore, #tpu.memory_space<semaphore_mem>>
        %dma_start3A_196 = arith.constant 8 : i32
        %dma_start3A_197 = tpu.memref_slice %arg8[%dma_start3A_196] : memref<8712xi32, #tpu.memory_space<vmem>> -> memref<512xi32, #tpu.memory_space<vmem>>
        %dma_start3A_198 = tpu.memref_slice %arg4[%sub3A_195] : memref<262144xi32, #tpu.memory_space<hbm>> -> memref<512xi32, #tpu.memory_space<hbm>>
        %dma_start3A_199 = arith.constant 8 : i32
        %dma_start3A_200 = tpu.memref_slice %arg8[%dma_start3A_199] : memref<8712xi32, #tpu.memory_space<vmem>> -> memref<512xi32, #tpu.memory_space<vmem>>
        %dma_start3A_201 = tpu.memref_slice %arg4[%sub3A_195] : memref<262144xi32, #tpu.memory_space<hbm>> -> memref<512xi32, #tpu.memory_space<hbm>>
        tpu.enqueue_dma source(%dma_start3A_201 : memref<512xi32, #tpu.memory_space<hbm>>) target(%dma_start3A_200 : memref<512xi32, #tpu.memory_space<vmem>>) target_semaphore(%run_scoped3A : memref<!tpu.dma_semaphore, #tpu.memory_space<semaphore_mem>>)
        %dma_wait3A_202 = arith.constant 8 : i32
        %dma_wait3A_203 = tpu.memref_slice %arg8[%dma_wait3A_202] : memref<8712xi32, #tpu.memory_space<vmem>> -> memref<512xi32, #tpu.memory_space<vmem>>
        %dma_wait3A_204 = tpu.memref_slice %arg4[%sub3A_195] : memref<262144xi32, #tpu.memory_space<hbm>> -> memref<512xi32, #tpu.memory_space<hbm>>
        %dma_wait3A_205 = arith.constant 8 : i32
        %dma_wait3A_206 = tpu.memref_slice %arg8[%dma_wait3A_205] : memref<8712xi32, #tpu.memory_space<vmem>> -> memref<512xi32, #tpu.memory_space<vmem>>
        %dma_wait3A_207 = tpu.memref_slice %arg4[%sub3A_195] : memref<262144xi32, #tpu.memory_space<hbm>> -> memref<512xi32, #tpu.memory_space<hbm>>
        tpu.wait_dma2 semaphore(%run_scoped3A : memref<!tpu.dma_semaphore, #tpu.memory_space<semaphore_mem>>) src(%dma_wait3A_207 : memref<512xi32, #tpu.memory_space<hbm>>) dst(%dma_wait3A_206 : memref<512xi32, #tpu.memory_space<vmem>>)
        tpu.yield
      }) : () -> ()
    } else {
    }
    %eq3A = arith.constant 0 : i32
    %eq3A_26 = arith.cmpi eq, %add3A, %eq3A : i32
    %convert_element_type3A_27 = arith.extui %eq3A_26 : i1 to i32
    %cond3A_28 = arith.constant 0 : i32
    %cond3A_29 = arith.cmpi ne, %convert_element_type3A_27, %cond3A_28 : i32
    scf.if %cond3A_29 {
      %broadcast_in_dim3A_194 = arith.constant 0 : i32
      %broadcast_in_dim3A_195 = vector.broadcast %broadcast_in_dim3A_194 : i32 to vector<16xi32>
      %scan3A = arith.constant 0 : i32
      %scan3A_196 = arith.constant 0 : i32
      %scan3A_197 = arith.constant 32 : i32
      %scan3A_198 = arith.addi %scan3A_196, %scan3A_197 : i32
      %scan3A_199 = arith.constant 1 : i32
      scf.for %scan3A_201 = %scan3A_196 to %scan3A_198 step %scan3A_199  : i32 {
        %mul3A_202 = arith.constant 16 : i32
        %mul3A_203 = arith.muli %scan3A_201, %mul3A_202 : i32
        %add3A_204 = arith.constant 8 : i32
        %add3A_205 = arith.addi %add3A_204, %mul3A_203 : i32
        %swap3A = arith.index_cast %add3A_205 : i32 to index
        %swap3A_206 = tpu.vector_load %arg8[%swap3A] {strides = array<i32>} : memref<8712xi32, #tpu.memory_space<vmem>>, vector<16xi32>,
        %swap3A_207 = vector.shape_cast %swap3A_206 : vector<16xi32> to vector<16xi32>
        %swap3A_208 = vector.shape_cast %broadcast_in_dim3A_195 : vector<16xi32> to vector<16xi32>
        tpu.vector_store %arg8[%swap3A], %swap3A_208 {strides = array<i32>} : memref<8712xi32, #tpu.memory_space<vmem>>, vector<16xi32>,
      }
      %scan3A_200 = arith.constant 32 : i32
    } else {
    }
    %dma_wait3A = arith.constant 0 : i32
    %dma_wait3A_30 = tpu.memref_slice %arg9[%dma_wait3A] : memref<16xf32, #tpu.memory_space<vmem>> -> memref<4xf32, #tpu.memory_space<vmem>>
    %dma_wait3A_31 = arith.constant 0 : i32
    %dma_wait3A_32 = tpu.memref_slice %arg9[%dma_wait3A_31] : memref<16xf32, #tpu.memory_space<vmem>> -> memref<4xf32, #tpu.memory_space<vmem>>
    tpu.wait_dma2 semaphore(%arg13 : memref<!tpu.dma_semaphore, #tpu.memory_space<semaphore_mem>>) src(%arg2 : memref<4xf32, #tpu.memory_space<hbm>>) dst(%dma_wait3A_32 : memref<4xf32, #tpu.memory_space<vmem>>)
    %dma_wait3A_33 = arith.constant 8 : i32
    %dma_wait3A_34 = tpu.memref_slice %arg9[%dma_wait3A_33] : memref<16xf32, #tpu.memory_space<vmem>> -> memref<4xf32, #tpu.memory_space<vmem>>
    %dma_wait3A_35 = arith.constant 8 : i32
    %dma_wait3A_36 = tpu.memref_slice %arg9[%dma_wait3A_35] : memref<16xf32, #tpu.memory_space<vmem>> -> memref<4xf32, #tpu.memory_space<vmem>>
    tpu.wait_dma2 semaphore(%arg14 : memref<!tpu.dma_semaphore, #tpu.memory_space<semaphore_mem>>) src(%arg3 : memref<4xf32, #tpu.memory_space<hbm>>) dst(%dma_wait3A_36 : memref<4xf32, #tpu.memory_space<vmem>>)
    %get3A = arith.constant 0 : index
    %get3A_37 = tpu.vector_load %arg9[%get3A] {strides = array<i32>} : memref<16xf32, #tpu.memory_space<vmem>>, vector<16xf32>,
    %get3A_38 = vector.shape_cast %get3A_37 : vector<16xf32> to vector<16xf32>
    %broadcast_in_dim3A = arith.constant 0.000000e+00 : f32
    %broadcast_in_dim3A_39 = vector.broadcast %broadcast_in_dim3A : f32 to vector<16xf32>
    %broadcast_in_dim3A_40 = arith.constant 0 : i32
    %broadcast_in_dim3A_41 = vector.broadcast %broadcast_in_dim3A_40 : i32 to vector<16xi32>
    %broadcast_in_dim3A_42 = vector.shape_cast %broadcast_in_dim3A_41 : vector<16xi32> to vector<16x1xi32>
    %gather3A = vector.shape_cast %broadcast_in_dim3A_42 : vector<16x1xi32> to vector<16xi32>
    %gather3A_43 = tpu.dynamic_gather %get3A_38[%gather3A] in [0] : vector<16xf32>, vector<16xi32> -> vector<16xf32>
    %min3A = arith.constant 1.000000e+00 : f32
    %min3A_44 = vector.broadcast %min3A : f32 to vector<16xf32>
    %min3A_45 = arith.minimumf %gather3A_43, %min3A_44 : vector<16xf32>
    %max3A = arith.constant 0.000000e+00 : f32
    %max3A_46 = vector.broadcast %max3A : f32 to vector<16xf32>
    %max3A_47 = arith.maximumf %min3A_45, %max3A_46 : vector<16xf32>
    %sub3A = arith.constant 1.000000e+00 : f32
    %sub3A_48 = vector.broadcast %sub3A : f32 to vector<16xf32>
    %sub3A_49 = arith.subf %gather3A_43, %sub3A_48 : vector<16xf32>
    %min3A_50 = arith.constant 1.000000e+00 : f32
    %min3A_51 = vector.broadcast %min3A_50 : f32 to vector<16xf32>
    %min3A_52 = arith.minimumf %sub3A_49, %min3A_51 : vector<16xf32>
    %max3A_53 = arith.constant 0.000000e+00 : f32
    %max3A_54 = vector.broadcast %max3A_53 : f32 to vector<16xf32>
    %max3A_55 = arith.maximumf %min3A_52, %max3A_54 : vector<16xf32>
    %broadcast_in_dim3A_56 = arith.constant 8 : i32
    %broadcast_in_dim3A_57 = vector.broadcast %broadcast_in_dim3A_56 : i32 to vector<16xi32>
    %broadcast_in_dim3A_58 = vector.shape_cast %broadcast_in_dim3A_57 : vector<16xi32> to vector<16x1xi32>
    %gather3A_59 = vector.shape_cast %broadcast_in_dim3A_58 : vector<16x1xi32> to vector<16xi32>
    %gather3A_60 = tpu.dynamic_gather %get3A_38[%gather3A_59] in [0] : vector<16xf32>, vector<16xi32> -> vector<16xf32>
    %min3A_61 = arith.constant 1.000000e+00 : f32
    %min3A_62 = vector.broadcast %min3A_61 : f32 to vector<16xf32>
    %min3A_63 = arith.minimumf %gather3A_60, %min3A_62 : vector<16xf32>
    %max3A_64 = arith.constant 0.000000e+00 : f32
    %max3A_65 = vector.broadcast %max3A_64 : f32 to vector<16xf32>
    %max3A_66 = arith.maximumf %min3A_63, %max3A_65 : vector<16xf32>
    %sub3A_67 = arith.constant 1.000000e+00 : f32
    %sub3A_68 = vector.broadcast %sub3A_67 : f32 to vector<16xf32>
    %sub3A_69 = arith.subf %gather3A_60, %sub3A_68 : vector<16xf32>
    %min3A_70 = arith.constant 1.000000e+00 : f32
    %min3A_71 = vector.broadcast %min3A_70 : f32 to vector<16xf32>
    %min3A_72 = arith.minimumf %sub3A_69, %min3A_71 : vector<16xf32>
    %max3A_73 = arith.constant 0.000000e+00 : f32
    %max3A_74 = vector.broadcast %max3A_73 : f32 to vector<16xf32>
    %max3A_75 = arith.maximumf %min3A_72, %max3A_74 : vector<16xf32>
    %mul3A_76 = arith.mulf %max3A_47, %max3A_66 : vector<16xf32>
    %mul3A_77 = arith.mulf %max3A_55, %max3A_66 : vector<16xf32>
    %mul3A_78 = arith.mulf %max3A_47, %max3A_75 : vector<16xf32>
    %mul3A_79 = arith.mulf %max3A_55, %max3A_75 : vector<16xf32>
    %broadcast_in_dim3A_80 = arith.constant 2 : i32
    %broadcast_in_dim3A_81 = vector.broadcast %broadcast_in_dim3A_80 : i32 to vector<16xi32>
    %broadcast_in_dim3A_82 = vector.shape_cast %broadcast_in_dim3A_81 : vector<16xi32> to vector<16x1xi32>
    %gather3A_83 = vector.shape_cast %broadcast_in_dim3A_82 : vector<16x1xi32> to vector<16xi32>
    %gather3A_84 = tpu.dynamic_gather %get3A_38[%gather3A_83] in [0] : vector<16xf32>, vector<16xi32> -> vector<16xf32>
    %min3A_85 = arith.constant 1.000000e+00 : f32
    %min3A_86 = vector.broadcast %min3A_85 : f32 to vector<16xf32>
    %min3A_87 = arith.minimumf %gather3A_84, %min3A_86 : vector<16xf32>
    %max3A_88 = arith.constant 0.000000e+00 : f32
    %max3A_89 = vector.broadcast %max3A_88 : f32 to vector<16xf32>
    %max3A_90 = arith.maximumf %min3A_87, %max3A_89 : vector<16xf32>
    %sub3A_91 = arith.constant 1.000000e+00 : f32
    %sub3A_92 = vector.broadcast %sub3A_91 : f32 to vector<16xf32>
    %sub3A_93 = arith.subf %gather3A_84, %sub3A_92 : vector<16xf32>
    %min3A_94 = arith.constant 1.000000e+00 : f32
    %min3A_95 = vector.broadcast %min3A_94 : f32 to vector<16xf32>
    %min3A_96 = arith.minimumf %sub3A_93, %min3A_95 : vector<16xf32>
    %max3A_97 = arith.constant 0.000000e+00 : f32
    %max3A_98 = vector.broadcast %max3A_97 : f32 to vector<16xf32>
    %max3A_99 = arith.maximumf %min3A_96, %max3A_98 : vector<16xf32>
    %broadcast_in_dim3A_100 = arith.constant 10 : i32
    %broadcast_in_dim3A_101 = vector.broadcast %broadcast_in_dim3A_100 : i32 to vector<16xi32>
    %broadcast_in_dim3A_102 = vector.shape_cast %broadcast_in_dim3A_101 : vector<16xi32> to vector<16x1xi32>
    %gather3A_103 = vector.shape_cast %broadcast_in_dim3A_102 : vector<16x1xi32> to vector<16xi32>
    %gather3A_104 = tpu.dynamic_gather %get3A_38[%gather3A_103] in [0] : vector<16xf32>, vector<16xi32> -> vector<16xf32>
    %min3A_105 = arith.constant 1.000000e+00 : f32
    %min3A_106 = vector.broadcast %min3A_105 : f32 to vector<16xf32>
    %min3A_107 = arith.minimumf %gather3A_104, %min3A_106 : vector<16xf32>
    %max3A_108 = arith.constant 0.000000e+00 : f32
    %max3A_109 = vector.broadcast %max3A_108 : f32 to vector<16xf32>
    %max3A_110 = arith.maximumf %min3A_107, %max3A_109 : vector<16xf32>
    %sub3A_111 = arith.constant 1.000000e+00 : f32
    %sub3A_112 = vector.broadcast %sub3A_111 : f32 to vector<16xf32>
    %sub3A_113 = arith.subf %gather3A_104, %sub3A_112 : vector<16xf32>
    %min3A_114 = arith.constant 1.000000e+00 : f32
    %min3A_115 = vector.broadcast %min3A_114 : f32 to vector<16xf32>
    %min3A_116 = arith.minimumf %sub3A_113, %min3A_115 : vector<16xf32>
    %max3A_117 = arith.constant 0.000000e+00 : f32
    %max3A_118 = vector.broadcast %max3A_117 : f32 to vector<16xf32>
    %max3A_119 = arith.maximumf %min3A_116, %max3A_118 : vector<16xf32>
    %mul3A_120 = arith.mulf %max3A_90, %max3A_110 : vector<16xf32>
    %mul3A_121 = arith.mulf %max3A_99, %max3A_110 : vector<16xf32>
    %mul3A_122 = arith.mulf %max3A_90, %max3A_119 : vector<16xf32>
    %mul3A_123 = arith.mulf %max3A_99, %max3A_119 : vector<16xf32>
    %broadcast_in_dim3A_124 = arith.constant 3 : i32
    %broadcast_in_dim3A_125 = vector.broadcast %broadcast_in_dim3A_124 : i32 to vector<16xi32>
    %broadcast_in_dim3A_126 = vector.shape_cast %broadcast_in_dim3A_125 : vector<16xi32> to vector<16x1xi32>
    %gather3A_127 = vector.shape_cast %broadcast_in_dim3A_126 : vector<16x1xi32> to vector<16xi32>
    %gather3A_128 = tpu.dynamic_gather %get3A_38[%gather3A_127] in [0] : vector<16xf32>, vector<16xi32> -> vector<16xf32>
    %min3A_129 = arith.constant 1.000000e+00 : f32
    %min3A_130 = vector.broadcast %min3A_129 : f32 to vector<16xf32>
    %min3A_131 = arith.minimumf %gather3A_128, %min3A_130 : vector<16xf32>
    %max3A_132 = arith.constant 0.000000e+00 : f32
    %max3A_133 = vector.broadcast %max3A_132 : f32 to vector<16xf32>
    %max3A_134 = arith.maximumf %min3A_131, %max3A_133 : vector<16xf32>
    %sub3A_135 = arith.constant 1.000000e+00 : f32
    %sub3A_136 = vector.broadcast %sub3A_135 : f32 to vector<16xf32>
    %sub3A_137 = arith.subf %gather3A_128, %sub3A_136 : vector<16xf32>
    %min3A_138 = arith.constant 1.000000e+00 : f32
    %min3A_139 = vector.broadcast %min3A_138 : f32 to vector<16xf32>
    %min3A_140 = arith.minimumf %sub3A_137, %min3A_139 : vector<16xf32>
    %max3A_141 = arith.constant 0.000000e+00 : f32
    %max3A_142 = vector.broadcast %max3A_141 : f32 to vector<16xf32>
    %max3A_143 = arith.maximumf %min3A_140, %max3A_142 : vector<16xf32>
    %broadcast_in_dim3A_144 = arith.constant 11 : i32
    %broadcast_in_dim3A_145 = vector.broadcast %broadcast_in_dim3A_144 : i32 to vector<16xi32>
    %broadcast_in_dim3A_146 = vector.shape_cast %broadcast_in_dim3A_145 : vector<16xi32> to vector<16x1xi32>
    %gather3A_147 = vector.shape_cast %broadcast_in_dim3A_146 : vector<16x1xi32> to vector<16xi32>
    %gather3A_148 = tpu.dynamic_gather %get3A_38[%gather3A_147] in [0] : vector<16xf32>, vector<16xi32> -> vector<16xf32>
    %min3A_149 = arith.constant 1.000000e+00 : f32
    %min3A_150 = vector.broadcast %min3A_149 : f32 to vector<16xf32>
    %min3A_151 = arith.minimumf %gather3A_148, %min3A_150 : vector<16xf32>
    %max3A_152 = arith.constant 0.000000e+00 : f32
    %max3A_153 = vector.broadcast %max3A_152 : f32 to vector<16xf32>
    %max3A_154 = arith.maximumf %min3A_151, %max3A_153 : vector<16xf32>
    %sub3A_155 = arith.constant 1.000000e+00 : f32
    %sub3A_156 = vector.broadcast %sub3A_155 : f32 to vector<16xf32>
    %sub3A_157 = arith.subf %gather3A_148, %sub3A_156 : vector<16xf32>
    %min3A_158 = arith.constant 1.000000e+00 : f32
    %min3A_159 = vector.broadcast %min3A_158 : f32 to vector<16xf32>
    %min3A_160 = arith.minimumf %sub3A_157, %min3A_159 : vector<16xf32>
    %max3A_161 = arith.constant 0.000000e+00 : f32
    %max3A_162 = vector.broadcast %max3A_161 : f32 to vector<16xf32>
    %max3A_163 = arith.maximumf %min3A_160, %max3A_162 : vector<16xf32>
    %mul3A_164 = arith.mulf %max3A_134, %max3A_154 : vector<16xf32>
    %mul3A_165 = arith.mulf %max3A_143, %max3A_154 : vector<16xf32>
    %mul3A_166 = arith.mulf %max3A_134, %max3A_163 : vector<16xf32>
    %mul3A_167 = arith.mulf %max3A_143, %max3A_163 : vector<16xf32>
    %iota3A = tpu.iota {dimensions = array<i32: 0>} : vector<16xi32>
    %dma_wait3A_168 = arith.constant 520 : i32
    %dma_wait3A_169 = tpu.memref_slice %arg8[%dma_wait3A_168] : memref<8712xi32, #tpu.memory_space<vmem>> -> memref<4096xi32, #tpu.memory_space<vmem>>
    %dma_wait3A_170 = tpu.memref_slice %arg4[%mul3A_2] : memref<262144xi32, #tpu.memory_space<hbm>> -> memref<4096xi32, #tpu.memory_space<hbm>>
    %dma_wait3A_171 = arith.constant 520 : i32
    %dma_wait3A_172 = tpu.memref_slice %arg8[%dma_wait3A_171] : memref<8712xi32, #tpu.memory_space<vmem>> -> memref<4096xi32, #tpu.memory_space<vmem>>
    %dma_wait3A_173 = tpu.memref_slice %arg4[%mul3A_2] : memref<262144xi32, #tpu.memory_space<hbm>> -> memref<4096xi32, #tpu.memory_space<hbm>>
    tpu.wait_dma2 semaphore(%arg15 : memref<!tpu.dma_semaphore, #tpu.memory_space<semaphore_mem>>) src(%dma_wait3A_173 : memref<4096xi32, #tpu.memory_space<hbm>>) dst(%dma_wait3A_172 : memref<4096xi32, #tpu.memory_space<vmem>>)
    %dma_wait3A_174 = arith.constant 4616 : i32
    %dma_wait3A_175 = tpu.memref_slice %arg8[%dma_wait3A_174] : memref<8712xi32, #tpu.memory_space<vmem>> -> memref<4096xi32, #tpu.memory_space<vmem>>
    %dma_wait3A_176 = tpu.memref_slice %arg4[%add3A_17] : memref<262144xi32, #tpu.memory_space<hbm>> -> memref<4096xi32, #tpu.memory_space<hbm>>
    %dma_wait3A_177 = arith.constant 4616 : i32
    %dma_wait3A_178 = tpu.memref_slice %arg8[%dma_wait3A_177] : memref<8712xi32, #tpu.memory_space<vmem>> -> memref<4096xi32, #tpu.memory_space<vmem>>
    %dma_wait3A_179 = tpu.memref_slice %arg4[%add3A_17] : memref<262144xi32, #tpu.memory_space<hbm>> -> memref<4096xi32, #tpu.memory_space<hbm>>
    tpu.wait_dma2 semaphore(%arg15 : memref<!tpu.dma_semaphore, #tpu.memory_space<semaphore_mem>>) src(%dma_wait3A_179 : memref<4096xi32, #tpu.memory_space<hbm>>) dst(%dma_wait3A_178 : memref<4096xi32, #tpu.memory_space<vmem>>)
    %parallel_loop3A = arith.constant 0 : i32
    %parallel_loop3A_180 = arith.constant 32 : i32
    %parallel_loop3A_181 = arith.constant 1 : i32
    scf.for %parallel_loop3A_194 = %parallel_loop3A to %parallel_loop3A_180 step %parallel_loop3A_181  : i32 {
      %parallel_loop3A_195 = arith.constant 16 : i32
      %parallel_loop3A_196 = arith.muli %parallel_loop3A_194, %parallel_loop3A_195 : i32
      %parallel_loop3A_197 = vector.broadcast %parallel_loop3A_196 : i32 to vector<16xi32>
      %parallel_loop3A_198 = arith.addi %parallel_loop3A_197, %iota3A : vector<16xi32>
      %parallel_loop3A_199 = arith.constant 0 : i32
      %parallel_loop3A_200 = vector.broadcast %parallel_loop3A_199 : i32 to vector<16xi32>
      %parallel_loop3A_201 = arith.cmpi sgt, %parallel_loop3A_198, %parallel_loop3A_200 : vector<16xi32>
      %parallel_loop3A_202 = arith.constant 1.000000e+00 : f32
      %parallel_loop3A_203 = arith.constant 0.000000e+00 : f32
      %parallel_loop3A_204 = vector.broadcast %parallel_loop3A_202 : f32 to vector<16xf32>
      %parallel_loop3A_205 = vector.broadcast %parallel_loop3A_203 : f32 to vector<16xf32>
      %parallel_loop3A_206 = arith.select %parallel_loop3A_201, %parallel_loop3A_204, %parallel_loop3A_205 : vector<16xi1>, vector<16xf32>
      %parallel_loop3A_207 = arith.mulf %mul3A_78, %parallel_loop3A_206 : vector<16xf32>
      %parallel_loop3A_208 = arith.mulf %mul3A_79, %parallel_loop3A_206 : vector<16xf32>
      %parallel_loop3A_209 = arith.mulf %mul3A_122, %parallel_loop3A_206 : vector<16xf32>
      %parallel_loop3A_210 = arith.mulf %mul3A_123, %parallel_loop3A_206 : vector<16xf32>
      %parallel_loop3A_211 = arith.mulf %mul3A_166, %parallel_loop3A_206 : vector<16xf32>
      %parallel_loop3A_212 = arith.mulf %mul3A_167, %parallel_loop3A_206 : vector<16xf32>
      %parallel_loop3A_213 = arith.constant 0 : i32
      %parallel_loop3A_214 = arith.addi %parallel_loop3A_213, %parallel_loop3A_196 : i32
      %parallel_loop3A_215 = arith.constant 8 : i32
      %parallel_loop3A_216 = arith.addi %parallel_loop3A_215, %parallel_loop3A_214 : i32
      %parallel_loop3A_217 = arith.index_cast %parallel_loop3A_216 : i32 to index
      %parallel_loop3A_218 = tpu.vector_load %arg8[%parallel_loop3A_217] {strides = array<i32>} : memref<8712xi32, #tpu.memory_space<vmem>>, vector<16xi32>,
      %parallel_loop3A_219 = vector.shape_cast %parallel_loop3A_218 : vector<16xi32> to vector<16xi32>
      %parallel_loop3A_220 = arith.constant 8 : i32
      %parallel_loop3A_221 = arith.addi %parallel_loop3A_220, %parallel_loop3A_214 : i32
      %parallel_loop3A_222 = arith.constant 1 : i32
      %parallel_loop3A_223 = arith.subi %parallel_loop3A_221, %parallel_loop3A_222 : i32
      %parallel_loop3A_224 = arith.index_cast %parallel_loop3A_223 : i32 to index
      %parallel_loop3A_225 = tpu.vector_load %arg8[%parallel_loop3A_224] {strides = array<i32>} : memref<8712xi32, #tpu.memory_space<vmem>>, vector<16xi32>,
      %parallel_loop3A_226 = vector.shape_cast %parallel_loop3A_225 : vector<16xi32> to vector<16xi32>
      %parallel_loop3A_227 = arith.constant 1 : i32
      %parallel_loop3A_228 = vector.broadcast %parallel_loop3A_227 : i32 to vector<16xi32>
      %parallel_loop3A_229 = arith.cmpi eq, %parallel_loop3A_219, %parallel_loop3A_228 : vector<16xi32>
      %parallel_loop3A_230 = arith.constant 1 : i32
      %parallel_loop3A_231 = vector.broadcast %parallel_loop3A_230 : i32 to vector<16xi32>
      %parallel_loop3A_232 = arith.cmpi eq, %parallel_loop3A_226, %parallel_loop3A_231 : vector<16xi32>
      %parallel_loop3A_233 = arith.select %parallel_loop3A_229, %mul3A_76, %broadcast_in_dim3A_39 : vector<16xi1>, vector<16xf32>
      %parallel_loop3A_234 = arith.select %parallel_loop3A_232, %parallel_loop3A_207, %broadcast_in_dim3A_39 : vector<16xi1>, vector<16xf32>
      %parallel_loop3A_235 = arith.addf %parallel_loop3A_233, %parallel_loop3A_234 : vector<16xf32>
      %parallel_loop3A_236 = arith.select %parallel_loop3A_229, %mul3A_77, %broadcast_in_dim3A_39 : vector<16xi1>, vector<16xf32>
      %parallel_loop3A_237 = arith.select %parallel_loop3A_232, %parallel_loop3A_208, %broadcast_in_dim3A_39 : vector<16xi1>, vector<16xf32>
      %parallel_loop3A_238 = arith.addf %parallel_loop3A_236, %parallel_loop3A_237 : vector<16xf32>
      %parallel_loop3A_239 = arith.constant 2 : i32
      %parallel_loop3A_240 = vector.broadcast %parallel_loop3A_239 : i32 to vector<16xi32>
      %parallel_loop3A_241 = arith.cmpi eq, %parallel_loop3A_219, %parallel_loop3A_240 : vector<16xi32>
      %parallel_loop3A_242 = arith.constant 2 : i32
      %parallel_loop3A_243 = vector.broadcast %parallel_loop3A_242 : i32 to vector<16xi32>
      %parallel_loop3A_244 = arith.cmpi eq, %parallel_loop3A_226, %parallel_loop3A_243 : vector<16xi32>
      %parallel_loop3A_245 = arith.select %parallel_loop3A_241, %mul3A_120, %broadcast_in_dim3A_39 : vector<16xi1>, vector<16xf32>
      %parallel_loop3A_246 = arith.select %parallel_loop3A_244, %parallel_loop3A_209, %broadcast_in_dim3A_39 : vector<16xi1>, vector<16xf32>
      %parallel_loop3A_247 = arith.addf %parallel_loop3A_245, %parallel_loop3A_246 : vector<16xf32>
      %parallel_loop3A_248 = arith.select %parallel_loop3A_241, %mul3A_121, %broadcast_in_dim3A_39 : vector<16xi1>, vector<16xf32>
      %parallel_loop3A_249 = arith.select %parallel_loop3A_244, %parallel_loop3A_210, %broadcast_in_dim3A_39 : vector<16xi1>, vector<16xf32>
      %parallel_loop3A_250 = arith.addf %parallel_loop3A_248, %parallel_loop3A_249 : vector<16xf32>
      %parallel_loop3A_251 = arith.constant 3 : i32
      %parallel_loop3A_252 = vector.broadcast %parallel_loop3A_251 : i32 to vector<16xi32>
      %parallel_loop3A_253 = arith.cmpi eq, %parallel_loop3A_219, %parallel_loop3A_252 : vector<16xi32>
      %parallel_loop3A_254 = arith.constant 3 : i32
      %parallel_loop3A_255 = vector.broadcast %parallel_loop3A_254 : i32 to vector<16xi32>
      %parallel_loop3A_256 = arith.cmpi eq, %parallel_loop3A_226, %parallel_loop3A_255 : vector<16xi32>
      %parallel_loop3A_257 = arith.select %parallel_loop3A_253, %mul3A_164, %broadcast_in_dim3A_39 : vector<16xi1>, vector<16xf32>
      %parallel_loop3A_258 = arith.select %parallel_loop3A_256, %parallel_loop3A_211, %broadcast_in_dim3A_39 : vector<16xi1>, vector<16xf32>
      %parallel_loop3A_259 = arith.addf %parallel_loop3A_257, %parallel_loop3A_258 : vector<16xf32>
      %parallel_loop3A_260 = arith.select %parallel_loop3A_253, %mul3A_165, %broadcast_in_dim3A_39 : vector<16xi1>, vector<16xf32>
      %parallel_loop3A_261 = arith.select %parallel_loop3A_256, %parallel_loop3A_212, %broadcast_in_dim3A_39 : vector<16xi1>, vector<16xf32>
      %parallel_loop3A_262 = arith.addf %parallel_loop3A_260, %parallel_loop3A_261 : vector<16xf32>
      %parallel_loop3A_263 = arith.constant 0 : i32
      %parallel_loop3A_264 = arith.constant 16 : i32
      %parallel_loop3A_265 = arith.addi %parallel_loop3A_263, %parallel_loop3A_264 : i32
      %parallel_loop3A_266 = arith.constant 2 : i32
      %parallel_loop3A_267:3 = scf.for %scan3A = %parallel_loop3A_263 to %parallel_loop3A_265 step %parallel_loop3A_266 iter_args(%scan3A_269 = %parallel_loop3A_238, %scan3A_270 = %parallel_loop3A_250, %scan3A_271 = %parallel_loop3A_262) -> (vector<16xf32>, vector<16xf32>, vector<16xf32>)  : i32 {
        %parallel_loop3A_272 = arith.constant 1 : i32
        %parallel_loop3A_273 = arith.addi %scan3A, %parallel_loop3A_272 : i32
        %parallel_loop3A_274 = arith.constant 512 : i32
        %parallel_loop3A_275 = arith.muli %parallel_loop3A_273, %parallel_loop3A_274 : i32
        %parallel_loop3A_276 = arith.addi %parallel_loop3A_275, %parallel_loop3A_196 : i32
        %parallel_loop3A_277 = arith.constant 8 : i32
        %parallel_loop3A_278 = arith.addi %parallel_loop3A_277, %parallel_loop3A_276 : i32
        %parallel_loop3A_279 = arith.index_cast %parallel_loop3A_278 : i32 to index
        %parallel_loop3A_280 = tpu.vector_load %arg8[%parallel_loop3A_279] {strides = array<i32>} : memref<8712xi32, #tpu.memory_space<vmem>>, vector<16xi32>,
        %parallel_loop3A_281 = vector.shape_cast %parallel_loop3A_280 : vector<16xi32> to vector<16xi32>
        %parallel_loop3A_282 = arith.constant 8 : i32
        %parallel_loop3A_283 = arith.addi %parallel_loop3A_282, %parallel_loop3A_276 : i32
        %parallel_loop3A_284 = arith.constant 1 : i32
        %parallel_loop3A_285 = arith.subi %parallel_loop3A_283, %parallel_loop3A_284 : i32
        %parallel_loop3A_286 = arith.index_cast %parallel_loop3A_285 : i32 to index
        %parallel_loop3A_287 = tpu.vector_load %arg8[%parallel_loop3A_286] {strides = array<i32>} : memref<8712xi32, #tpu.memory_space<vmem>>, vector<16xi32>,
        %parallel_loop3A_288 = vector.shape_cast %parallel_loop3A_287 : vector<16xi32> to vector<16xi32>
        %parallel_loop3A_289 = arith.constant 1 : i32
        %parallel_loop3A_290 = vector.broadcast %parallel_loop3A_289 : i32 to vector<16xi32>
        %parallel_loop3A_291 = arith.cmpi eq, %parallel_loop3A_281, %parallel_loop3A_290 : vector<16xi32>
        %parallel_loop3A_292 = arith.constant 1 : i32
        %parallel_loop3A_293 = vector.broadcast %parallel_loop3A_292 : i32 to vector<16xi32>
        %parallel_loop3A_294 = arith.cmpi eq, %parallel_loop3A_288, %parallel_loop3A_293 : vector<16xi32>
        %parallel_loop3A_295 = arith.select %parallel_loop3A_291, %mul3A_76, %broadcast_in_dim3A_39 : vector<16xi1>, vector<16xf32>
        %parallel_loop3A_296 = arith.select %parallel_loop3A_294, %parallel_loop3A_207, %broadcast_in_dim3A_39 : vector<16xi1>, vector<16xf32>
        %parallel_loop3A_297 = arith.addf %parallel_loop3A_295, %parallel_loop3A_296 : vector<16xf32>
        %parallel_loop3A_298 = arith.select %parallel_loop3A_291, %mul3A_77, %broadcast_in_dim3A_39 : vector<16xi1>, vector<16xf32>
        %parallel_loop3A_299 = arith.select %parallel_loop3A_294, %parallel_loop3A_208, %broadcast_in_dim3A_39 : vector<16xi1>, vector<16xf32>
        %parallel_loop3A_300 = arith.addf %parallel_loop3A_298, %parallel_loop3A_299 : vector<16xf32>
        %parallel_loop3A_301 = arith.constant 2 : i32
        %parallel_loop3A_302 = vector.broadcast %parallel_loop3A_301 : i32 to vector<16xi32>
        %parallel_loop3A_303 = arith.cmpi eq, %parallel_loop3A_281, %parallel_loop3A_302 : vector<16xi32>
        %parallel_loop3A_304 = arith.constant 2 : i32
        %parallel_loop3A_305 = vector.broadcast %parallel_loop3A_304 : i32 to vector<16xi32>
        %parallel_loop3A_306 = arith.cmpi eq, %parallel_loop3A_288, %parallel_loop3A_305 : vector<16xi32>
        %parallel_loop3A_307 = arith.select %parallel_loop3A_303, %mul3A_120, %broadcast_in_dim3A_39 : vector<16xi1>, vector<16xf32>
        %parallel_loop3A_308 = arith.select %parallel_loop3A_306, %parallel_loop3A_209, %broadcast_in_dim3A_39 : vector<16xi1>, vector<16xf32>
        %parallel_loop3A_309 = arith.addf %parallel_loop3A_307, %parallel_loop3A_308 : vector<16xf32>
        %parallel_loop3A_310 = arith.select %parallel_loop3A_303, %mul3A_121, %broadcast_in_dim3A_39 : vector<16xi1>, vector<16xf32>
        %parallel_loop3A_311 = arith.select %parallel_loop3A_306, %parallel_loop3A_210, %broadcast_in_dim3A_39 : vector<16xi1>, vector<16xf32>
        %parallel_loop3A_312 = arith.addf %parallel_loop3A_310, %parallel_loop3A_311 : vector<16xf32>
        %parallel_loop3A_313 = arith.constant 3 : i32
        %parallel_loop3A_314 = vector.broadcast %parallel_loop3A_313 : i32 to vector<16xi32>
        %parallel_loop3A_315 = arith.cmpi eq, %parallel_loop3A_281, %parallel_loop3A_314 : vector<16xi32>
        %parallel_loop3A_316 = arith.constant 3 : i32
        %parallel_loop3A_317 = vector.broadcast %parallel_loop3A_316 : i32 to vector<16xi32>
        %parallel_loop3A_318 = arith.cmpi eq, %parallel_loop3A_288, %parallel_loop3A_317 : vector<16xi32>
        %parallel_loop3A_319 = arith.select %parallel_loop3A_315, %mul3A_164, %broadcast_in_dim3A_39 : vector<16xi1>, vector<16xf32>
        %parallel_loop3A_320 = arith.select %parallel_loop3A_318, %parallel_loop3A_211, %broadcast_in_dim3A_39 : vector<16xi1>, vector<16xf32>
        %parallel_loop3A_321 = arith.addf %parallel_loop3A_319, %parallel_loop3A_320 : vector<16xf32>
        %parallel_loop3A_322 = arith.select %parallel_loop3A_315, %mul3A_165, %broadcast_in_dim3A_39 : vector<16xi1>, vector<16xf32>
        %parallel_loop3A_323 = arith.select %parallel_loop3A_318, %parallel_loop3A_212, %broadcast_in_dim3A_39 : vector<16xi1>, vector<16xf32>
        %parallel_loop3A_324 = arith.addf %parallel_loop3A_322, %parallel_loop3A_323 : vector<16xf32>
        %parallel_loop3A_325 = arith.addf %parallel_loop3A_297, %scan3A_269 : vector<16xf32>
        %parallel_loop3A_326 = arith.constant 1.000000e+00 : f32
        %parallel_loop3A_327 = vector.broadcast %parallel_loop3A_326 : f32 to vector<16xf32>
        %parallel_loop3A_328 = arith.subf %parallel_loop3A_327, %parallel_loop3A_325 : vector<16xf32>
        %parallel_loop3A_329 = arith.constant 512 : i32
        %parallel_loop3A_330 = arith.muli %scan3A, %parallel_loop3A_329 : i32
        %parallel_loop3A_331 = arith.addi %parallel_loop3A_330, %parallel_loop3A_196 : i32
        %parallel_loop3A_332 = arith.index_cast %parallel_loop3A_331 : i32 to index
        %parallel_loop3A_333 = tpu.vector_load %arg10[%parallel_loop3A_332] {strides = array<i32>} : memref<8192xf32, #tpu.memory_space<vmem>>, vector<16xf32>,
        %parallel_loop3A_334 = vector.shape_cast %parallel_loop3A_333 : vector<16xf32> to vector<16xf32>
        %parallel_loop3A_335 = vector.shape_cast %parallel_loop3A_328 : vector<16xf32> to vector<16xf32>
        tpu.vector_store %arg10[%parallel_loop3A_332], %parallel_loop3A_335 {strides = array<i32>} : memref<8192xf32, #tpu.memory_space<vmem>>, vector<16xf32>,
        %parallel_loop3A_336 = arith.addf %parallel_loop3A_309, %scan3A_270 : vector<16xf32>
        %parallel_loop3A_337 = arith.constant 1.000000e+00 : f32
        %parallel_loop3A_338 = vector.broadcast %parallel_loop3A_337 : f32 to vector<16xf32>
        %parallel_loop3A_339 = arith.subf %parallel_loop3A_338, %parallel_loop3A_336 : vector<16xf32>
        %parallel_loop3A_340 = arith.constant 512 : i32
        %parallel_loop3A_341 = arith.muli %scan3A, %parallel_loop3A_340 : i32
        %parallel_loop3A_342 = arith.addi %parallel_loop3A_341, %parallel_loop3A_196 : i32
        %parallel_loop3A_343 = arith.index_cast %parallel_loop3A_342 : i32 to index
        %parallel_loop3A_344 = tpu.vector_load %arg11[%parallel_loop3A_343] {strides = array<i32>} : memref<8192xf32, #tpu.memory_space<vmem>>, vector<16xf32>,
        %parallel_loop3A_345 = vector.shape_cast %parallel_loop3A_344 : vector<16xf32> to vector<16xf32>
        %parallel_loop3A_346 = vector.shape_cast %parallel_loop3A_339 : vector<16xf32> to vector<16xf32>
        tpu.vector_store %arg11[%parallel_loop3A_343], %parallel_loop3A_346 {strides = array<i32>} : memref<8192xf32, #tpu.memory_space<vmem>>, vector<16xf32>,
        %parallel_loop3A_347 = arith.addf %parallel_loop3A_321, %scan3A_271 : vector<16xf32>
        %parallel_loop3A_348 = arith.constant 1.000000e+00 : f32
        %parallel_loop3A_349 = vector.broadcast %parallel_loop3A_348 : f32 to vector<16xf32>
        %parallel_loop3A_350 = arith.subf %parallel_loop3A_349, %parallel_loop3A_347 : vector<16xf32>
        %parallel_loop3A_351 = arith.constant 512 : i32
        %parallel_loop3A_352 = arith.muli %scan3A, %parallel_loop3A_351 : i32
        %parallel_loop3A_353 = arith.addi %parallel_loop3A_352, %parallel_loop3A_196 : i32
        %parallel_loop3A_354 = arith.index_cast %parallel_loop3A_353 : i32 to index
        %parallel_loop3A_355 = tpu.vector_load %arg12[%parallel_loop3A_354] {strides = array<i32>} : memref<8192xf32, #tpu.memory_space<vmem>>, vector<16xf32>,
        %parallel_loop3A_356 = vector.shape_cast %parallel_loop3A_355 : vector<16xf32> to vector<16xf32>
        %parallel_loop3A_357 = vector.shape_cast %parallel_loop3A_350 : vector<16xf32> to vector<16xf32>
        tpu.vector_store %arg12[%parallel_loop3A_354], %parallel_loop3A_357 {strides = array<i32>} : memref<8192xf32, #tpu.memory_space<vmem>>, vector<16xf32>,
        %parallel_loop3A_358 = arith.constant 1 : i32
        %parallel_loop3A_359 = arith.addi %scan3A, %parallel_loop3A_358 : i32
        %parallel_loop3A_360 = arith.constant 1 : i32
        %parallel_loop3A_361 = arith.addi %parallel_loop3A_359, %parallel_loop3A_360 : i32
        %parallel_loop3A_362 = arith.constant 512 : i32
        %parallel_loop3A_363 = arith.muli %parallel_loop3A_361, %parallel_loop3A_362 : i32
        %parallel_loop3A_364 = arith.addi %parallel_loop3A_363, %parallel_loop3A_196 : i32
        %parallel_loop3A_365 = arith.constant 8 : i32
        %parallel_loop3A_366 = arith.addi %parallel_loop3A_365, %parallel_loop3A_364 : i32
        %parallel_loop3A_367 = arith.index_cast %parallel_loop3A_366 : i32 to index
        %parallel_loop3A_368 = tpu.vector_load %arg8[%parallel_loop3A_367] {strides = array<i32>} : memref<8712xi32, #tpu.memory_space<vmem>>, vector<16xi32>,
        %parallel_loop3A_369 = vector.shape_cast %parallel_loop3A_368 : vector<16xi32> to vector<16xi32>
        %parallel_loop3A_370 = arith.constant 8 : i32
        %parallel_loop3A_371 = arith.addi %parallel_loop3A_370, %parallel_loop3A_364 : i32
        %parallel_loop3A_372 = arith.constant 1 : i32
        %parallel_loop3A_373 = arith.subi %parallel_loop3A_371, %parallel_loop3A_372 : i32
        %parallel_loop3A_374 = arith.index_cast %parallel_loop3A_373 : i32 to index
        %parallel_loop3A_375 = tpu.vector_load %arg8[%parallel_loop3A_374] {strides = array<i32>} : memref<8712xi32, #tpu.memory_space<vmem>>, vector<16xi32>,
        %parallel_loop3A_376 = vector.shape_cast %parallel_loop3A_375 : vector<16xi32> to vector<16xi32>
        %parallel_loop3A_377 = arith.constant 1 : i32
        %parallel_loop3A_378 = vector.broadcast %parallel_loop3A_377 : i32 to vector<16xi32>
        %parallel_loop3A_379 = arith.cmpi eq, %parallel_loop3A_369, %parallel_loop3A_378 : vector<16xi32>
        %parallel_loop3A_380 = arith.constant 1 : i32
        %parallel_loop3A_381 = vector.broadcast %parallel_loop3A_380 : i32 to vector<16xi32>
        %parallel_loop3A_382 = arith.cmpi eq, %parallel_loop3A_376, %parallel_loop3A_381 : vector<16xi32>
        %parallel_loop3A_383 = arith.select %parallel_loop3A_379, %mul3A_76, %broadcast_in_dim3A_39 : vector<16xi1>, vector<16xf32>
        %parallel_loop3A_384 = arith.select %parallel_loop3A_382, %parallel_loop3A_207, %broadcast_in_dim3A_39 : vector<16xi1>, vector<16xf32>
        %parallel_loop3A_385 = arith.addf %parallel_loop3A_383, %parallel_loop3A_384 : vector<16xf32>
        %parallel_loop3A_386 = arith.select %parallel_loop3A_379, %mul3A_77, %broadcast_in_dim3A_39 : vector<16xi1>, vector<16xf32>
        %parallel_loop3A_387 = arith.select %parallel_loop3A_382, %parallel_loop3A_208, %broadcast_in_dim3A_39 : vector<16xi1>, vector<16xf32>
        %parallel_loop3A_388 = arith.addf %parallel_loop3A_386, %parallel_loop3A_387 : vector<16xf32>
        %parallel_loop3A_389 = arith.constant 2 : i32
        %parallel_loop3A_390 = vector.broadcast %parallel_loop3A_389 : i32 to vector<16xi32>
        %parallel_loop3A_391 = arith.cmpi eq, %parallel_loop3A_369, %parallel_loop3A_390 : vector<16xi32>
        %parallel_loop3A_392 = arith.constant 2 : i32
        %parallel_loop3A_393 = vector.broadcast %parallel_loop3A_392 : i32 to vector<16xi32>
        %parallel_loop3A_394 = arith.cmpi eq, %parallel_loop3A_376, %parallel_loop3A_393 : vector<16xi32>
        %parallel_loop3A_395 = arith.select %parallel_loop3A_391, %mul3A_120, %broadcast_in_dim3A_39 : vector<16xi1>, vector<16xf32>
        %parallel_loop3A_396 = arith.select %parallel_loop3A_394, %parallel_loop3A_209, %broadcast_in_dim3A_39 : vector<16xi1>, vector<16xf32>
        %parallel_loop3A_397 = arith.addf %parallel_loop3A_395, %parallel_loop3A_396 : vector<16xf32>
        %parallel_loop3A_398 = arith.select %parallel_loop3A_391, %mul3A_121, %broadcast_in_dim3A_39 : vector<16xi1>, vector<16xf32>
        %parallel_loop3A_399 = arith.select %parallel_loop3A_394, %parallel_loop3A_210, %broadcast_in_dim3A_39 : vector<16xi1>, vector<16xf32>
        %parallel_loop3A_400 = arith.addf %parallel_loop3A_398, %parallel_loop3A_399 : vector<16xf32>
        %parallel_loop3A_401 = arith.constant 3 : i32
        %parallel_loop3A_402 = vector.broadcast %parallel_loop3A_401 : i32 to vector<16xi32>
        %parallel_loop3A_403 = arith.cmpi eq, %parallel_loop3A_369, %parallel_loop3A_402 : vector<16xi32>
        %parallel_loop3A_404 = arith.constant 3 : i32
        %parallel_loop3A_405 = vector.broadcast %parallel_loop3A_404 : i32 to vector<16xi32>
        %parallel_loop3A_406 = arith.cmpi eq, %parallel_loop3A_376, %parallel_loop3A_405 : vector<16xi32>
        %parallel_loop3A_407 = arith.select %parallel_loop3A_403, %mul3A_164, %broadcast_in_dim3A_39 : vector<16xi1>, vector<16xf32>
        %parallel_loop3A_408 = arith.select %parallel_loop3A_406, %parallel_loop3A_211, %broadcast_in_dim3A_39 : vector<16xi1>, vector<16xf32>
        %parallel_loop3A_409 = arith.addf %parallel_loop3A_407, %parallel_loop3A_408 : vector<16xf32>
        %parallel_loop3A_410 = arith.select %parallel_loop3A_403, %mul3A_165, %broadcast_in_dim3A_39 : vector<16xi1>, vector<16xf32>
        %parallel_loop3A_411 = arith.select %parallel_loop3A_406, %parallel_loop3A_212, %broadcast_in_dim3A_39 : vector<16xi1>, vector<16xf32>
        %parallel_loop3A_412 = arith.addf %parallel_loop3A_410, %parallel_loop3A_411 : vector<16xf32>
        %parallel_loop3A_413 = arith.addf %parallel_loop3A_385, %parallel_loop3A_300 : vector<16xf32>
        %parallel_loop3A_414 = arith.constant 1.000000e+00 : f32
        %parallel_loop3A_415 = vector.broadcast %parallel_loop3A_414 : f32 to vector<16xf32>
        %parallel_loop3A_416 = arith.subf %parallel_loop3A_415, %parallel_loop3A_413 : vector<16xf32>
        %parallel_loop3A_417 = arith.constant 512 : i32
        %parallel_loop3A_418 = arith.muli %parallel_loop3A_359, %parallel_loop3A_417 : i32
        %parallel_loop3A_419 = arith.addi %parallel_loop3A_418, %parallel_loop3A_196 : i32
        %parallel_loop3A_420 = arith.index_cast %parallel_loop3A_419 : i32 to index
        %parallel_loop3A_421 = tpu.vector_load %arg10[%parallel_loop3A_420] {strides = array<i32>} : memref<8192xf32, #tpu.memory_space<vmem>>, vector<16xf32>,
        %parallel_loop3A_422 = vector.shape_cast %parallel_loop3A_421 : vector<16xf32> to vector<16xf32>
        %parallel_loop3A_423 = vector.shape_cast %parallel_loop3A_416 : vector<16xf32> to vector<16xf32>
        tpu.vector_store %arg10[%parallel_loop3A_420], %parallel_loop3A_423 {strides = array<i32>} : memref<8192xf32, #tpu.memory_space<vmem>>, vector<16xf32>,
        %parallel_loop3A_424 = arith.addf %parallel_loop3A_397, %parallel_loop3A_312 : vector<16xf32>
        %parallel_loop3A_425 = arith.constant 1.000000e+00 : f32
        %parallel_loop3A_426 = vector.broadcast %parallel_loop3A_425 : f32 to vector<16xf32>
        %parallel_loop3A_427 = arith.subf %parallel_loop3A_426, %parallel_loop3A_424 : vector<16xf32>
        %parallel_loop3A_428 = arith.constant 512 : i32
        %parallel_loop3A_429 = arith.muli %parallel_loop3A_359, %parallel_loop3A_428 : i32
        %parallel_loop3A_430 = arith.addi %parallel_loop3A_429, %parallel_loop3A_196 : i32
        %parallel_loop3A_431 = arith.index_cast %parallel_loop3A_430 : i32 to index
        %parallel_loop3A_432 = tpu.vector_load %arg11[%parallel_loop3A_431] {strides = array<i32>} : memref<8192xf32, #tpu.memory_space<vmem>>, vector<16xf32>,
        %parallel_loop3A_433 = vector.shape_cast %parallel_loop3A_432 : vector<16xf32> to vector<16xf32>
        %parallel_loop3A_434 = vector.shape_cast %parallel_loop3A_427 : vector<16xf32> to vector<16xf32>
        tpu.vector_store %arg11[%parallel_loop3A_431], %parallel_loop3A_434 {strides = array<i32>} : memref<8192xf32, #tpu.memory_space<vmem>>, vector<16xf32>,
        %parallel_loop3A_435 = arith.addf %parallel_loop3A_409, %parallel_loop3A_324 : vector<16xf32>
        %parallel_loop3A_436 = arith.constant 1.000000e+00 : f32
        %parallel_loop3A_437 = vector.broadcast %parallel_loop3A_436 : f32 to vector<16xf32>
        %parallel_loop3A_438 = arith.subf %parallel_loop3A_437, %parallel_loop3A_435 : vector<16xf32>
        %parallel_loop3A_439 = arith.constant 512 : i32
        %parallel_loop3A_440 = arith.muli %parallel_loop3A_359, %parallel_loop3A_439 : i32
        %parallel_loop3A_441 = arith.addi %parallel_loop3A_440, %parallel_loop3A_196 : i32
        %parallel_loop3A_442 = arith.index_cast %parallel_loop3A_441 : i32 to index
        %parallel_loop3A_443 = tpu.vector_load %arg12[%parallel_loop3A_442] {strides = array<i32>} : memref<8192xf32, #tpu.memory_space<vmem>>, vector<16xf32>,
        %parallel_loop3A_444 = vector.shape_cast %parallel_loop3A_443 : vector<16xf32> to vector<16xf32>
        %parallel_loop3A_445 = vector.shape_cast %parallel_loop3A_438 : vector<16xf32> to vector<16xf32>
        tpu.vector_store %arg12[%parallel_loop3A_442], %parallel_loop3A_445 {strides = array<i32>} : memref<8192xf32, #tpu.memory_space<vmem>>, vector<16xf32>,
        scf.yield %parallel_loop3A_388, %parallel_loop3A_400, %parallel_loop3A_412 : vector<16xf32>, vector<16xf32>, vector<16xf32>
      }
      %parallel_loop3A_268 = arith.constant 16 : i32
    } {sc.loop_unroll_factor = 2 : i64, sc.parallel_access}
    %dma_start3A_182 = tpu.memref_slice %arg5[%mul3A_2] : memref<262144xf32, #tpu.memory_space<hbm>> -> memref<8192xf32, #tpu.memory_space<hbm>>
    %dma_start3A_183 = tpu.memref_slice %arg5[%mul3A_2] : memref<262144xf32, #tpu.memory_space<hbm>> -> memref<8192xf32, #tpu.memory_space<hbm>>
    tpu.enqueue_dma source(%arg10 : memref<8192xf32, #tpu.memory_space<vmem>>) target(%dma_start3A_183 : memref<8192xf32, #tpu.memory_space<hbm>>) target_semaphore(%arg13 : memref<!tpu.dma_semaphore, #tpu.memory_space<semaphore_mem>>)
    %dma_start3A_184 = tpu.memref_slice %arg6[%mul3A_2] : memref<262144xf32, #tpu.memory_space<hbm>> -> memref<8192xf32, #tpu.memory_space<hbm>>
    %dma_start3A_185 = tpu.memref_slice %arg6[%mul3A_2] : memref<262144xf32, #tpu.memory_space<hbm>> -> memref<8192xf32, #tpu.memory_space<hbm>>
    tpu.enqueue_dma source(%arg11 : memref<8192xf32, #tpu.memory_space<vmem>>) target(%dma_start3A_185 : memref<8192xf32, #tpu.memory_space<hbm>>) target_semaphore(%arg13 : memref<!tpu.dma_semaphore, #tpu.memory_space<semaphore_mem>>)
    %dma_start3A_186 = tpu.memref_slice %arg7[%mul3A_2] : memref<262144xf32, #tpu.memory_space<hbm>> -> memref<8192xf32, #tpu.memory_space<hbm>>
    %dma_start3A_187 = tpu.memref_slice %arg7[%mul3A_2] : memref<262144xf32, #tpu.memory_space<hbm>> -> memref<8192xf32, #tpu.memory_space<hbm>>
    tpu.enqueue_dma source(%arg12 : memref<8192xf32, #tpu.memory_space<vmem>>) target(%dma_start3A_187 : memref<8192xf32, #tpu.memory_space<hbm>>) target_semaphore(%arg13 : memref<!tpu.dma_semaphore, #tpu.memory_space<semaphore_mem>>)
    %dma_wait3A_188 = tpu.memref_slice %arg5[%mul3A_2] : memref<262144xf32, #tpu.memory_space<hbm>> -> memref<8192xf32, #tpu.memory_space<hbm>>
    %dma_wait3A_189 = tpu.memref_slice %arg5[%mul3A_2] : memref<262144xf32, #tpu.memory_space<hbm>> -> memref<8192xf32, #tpu.memory_space<hbm>>
    tpu.wait_dma2 semaphore(%arg13 : memref<!tpu.dma_semaphore, #tpu.memory_space<semaphore_mem>>) src(%arg10 : memref<8192xf32, #tpu.memory_space<vmem>>) dst(%dma_wait3A_189 : memref<8192xf32, #tpu.memory_space<hbm>>)
    %dma_wait3A_190 = tpu.memref_slice %arg6[%mul3A_2] : memref<262144xf32, #tpu.memory_space<hbm>> -> memref<8192xf32, #tpu.memory_space<hbm>>
    %dma_wait3A_191 = tpu.memref_slice %arg6[%mul3A_2] : memref<262144xf32, #tpu.memory_space<hbm>> -> memref<8192xf32, #tpu.memory_space<hbm>>
    tpu.wait_dma2 semaphore(%arg13 : memref<!tpu.dma_semaphore, #tpu.memory_space<semaphore_mem>>) src(%arg11 : memref<8192xf32, #tpu.memory_space<vmem>>) dst(%dma_wait3A_191 : memref<8192xf32, #tpu.memory_space<hbm>>)
    %dma_wait3A_192 = tpu.memref_slice %arg7[%mul3A_2] : memref<262144xf32, #tpu.memory_space<hbm>> -> memref<8192xf32, #tpu.memory_space<hbm>>
    %dma_wait3A_193 = tpu.memref_slice %arg7[%mul3A_2] : memref<262144xf32, #tpu.memory_space<hbm>> -> memref<8192xf32, #tpu.memory_space<hbm>>
    tpu.wait_dma2 semaphore(%arg13 : memref<!tpu.dma_semaphore, #tpu.memory_space<semaphore_mem>>) src(%arg12 : memref<8192xf32, #tpu.memory_space<vmem>>) dst(%dma_wait3A_193 : memref<8192xf32, #tpu.memory_space<hbm>>)
    return
  }
}

</mosaic_0001>

<sc_bundles>
// kernel: kernel.3.cloned.1.call-start
scs
__scs_entry_jumppad:
0x0: {  	(pc) =	sbr.rel $0x88, $3  }
0x1: {  	(tag) =	ssettag $0x0;
	lr =	simm.s32 $0x1  }
0x2: {  	[smem:$0x3F9E] =	sst lr;
	_ =	strace $0xD0000000  }
0x3: {  	_ = 	snop  }
0x4: {  	_ = 	snop  }
0x5: {  	_ = 	snop  }
0x6: {  	_ = 	snop  }
0x7: {  	_ = 	snop  }
__scs_overlays_trampoline_lowered:
0x8: {  	[smem:$0x3FAD] =	sst s0  }
0x9: {  	[smem:$0x3FAE] =	sst s1  }
0xa: {  	[smem:$0x3FAF] =	sst s2  }
0xb: {  	[smem:$0x3FB0] =	sst s3  }
0xc: {  	[smem:$0x3FB1] =	sst s4  }
0xd: {  	[smem:$0x3FB2] =	sst s5  }
0xe: {  	[smem:$0x3FB3] =	sst s6  }
0xf: {  	[smem:$0x3FB4] =	sst s7  }
0x10: {  	[smem:$0x3FB5] =	sst s8  }
0x11: {  	[smem:$0x3FB6] =	sst s9;
	s0 =	simm.s32 @!p0 $0x0  }
0x12: {  	s1 =	sld [smem:$0x3F9C];
	s0 =	simm.s32 @p0 $0x1  }
0x13: {  	[smem:$0x3FB7] =	sst s0;
	s0 =	simm.s32 @!p1 $0x0  }
0x14: {  	s2 =	sld [smem:$0x3F9B];
	s0 =	simm.s32 @p1 $0x1  }
0x15: {  	[smem:$0x3FB8] =	sst s0;
	s0 =	simm.s32 @!p2 $0x0  }
0x16: {  	s3 =	sld [smem:$0x3FDB];
	s0 =	simm.s32 @p2 $0x1  }
0x17: {  	s4 =	simm.s32 $0x1BF5;
	[smem:$0x3FBA] =	sst s0  }
0x18: {  	s0 =	sld [smem:$0x3F9D];
	_ =	swait.ge [sflag:s4], $0x0  }
0x19: {  	s7 =	sld [smem:$0x3F9E]  }
0x1a: {  	s8 =	sadd.s32 $0xFFFFE003, lr  }
0x1b: {  	s9 =	sadd.s32 $0xFFFFFEF7, lr;
	s5 =	simm.s32 $0xFFFFFFFF;
	p2 =	slt.u32 s8, $0xFFFFF086  }
0x1c: {  	p1 =	slt.u32 s9, $0xF7A;
	s5 =	simm.s32 @!p2 $0x0  }
0x1d: {  	s5 =	simm.s32 @p1 $0x1;
	p0 =	seq.s32 s7, s2  }
0x1e: {  	s7 =	smul.u32 @!p0 $0xF7A, s2;
	p2 =	seq.s32 @!p0 s5, $0x0  }
0x1f: {  	s9 =	smul.u32 $0xF7A, s1;
	s8 =	simm.s32 @!p0 $0x1BF5;
	p2 =	por !p2, p0  }
0x20: {  	[sflag:s8] =	ssyncset.s32 @!p0 $0xFFFFF086;
	s6 =	sadd.s32 @!p0 s3, s7;
	s7 =	simm.s32 @!p0 $0x108  }
0x21: {  	s3 =	sadd.s32 s3, s9;
	s6 =	sadd.s32 @!p0 $0x88, s6;
	s7 =	simm.s32 @p2 $0x1082  }
0x22: {  	[simem:s7], [sflag:s8] =	dma.local @!p0 [hbm:s6], $0xF7A  }
0x23: {  	s9 =	sor.u32 $0xD0000000, s2;
	s6 =	simm.s32 $0x108;
	_ =	swait.ge @!p0 [sflag:s8], $0x0  }
0x24: {  	s3 =	sadd.s32 $0x88, s3;
	s6 =	simm.s32 @!p1 $0x1082;
	[sflag:s4] =	ssyncset.s32 $0xFFFFF086  }
0x25: {  	[simem:s6], [sflag:s4] =	dma.local [hbm:s3], $0xF7A  }
0x26: {  	[smem:$0x3F9E] =	sst s1;
	(tag) =	ssettag s2;
	_ =	strace s9  }
0x27: {  	s1 =	sld [smem:$0x3FAE]  }
0x28: {  	s2 =	sld [smem:$0x3FAF]  }
0x29: {  	s4 =	sld [smem:$0x3FB1]  }
0x2a: {  	p0 =	seq.s32 s5, $0x0;
	s5 =	sld [smem:$0x3FB2]  }
0x2b: {  	s6 =	sld [smem:$0x3FB3]  }
0x2c: {  	s7 =	sld [smem:$0x3FB4]  }
0x2d: {  	s3 =	simm.s32 $0x108;
	s8 =	sld [smem:$0x3FB5]  }
0x2e: {  	s3 =	simm.s32 @!p0 $0x1082;
	s9 =	sld [smem:$0x3FB6]  }
0x2f: {  	lr =	sadd.s32 s0, s3;
	s0 =	sld [smem:$0x3FAD]  }
0x30: {  	s3 =	sld [smem:$0x3FB0]  }
0x31: {  	[smem:$0x3FB9] =	sst s10  }
0x32: {  	s10 =	sld [smem:$0x3FB7];
	_ =	sdelay $0x3  }
0x33: {  	p0 =	seq.s32 s10, $0x1;
	s10 =	sld [smem:$0x3FB9];
	_ =	sdelay $0x3  }
0x34: {  	[smem:$0x3FB9] =	sst s10  }
0x35: {  	s10 =	sld [smem:$0x3FB8];
	_ =	sdelay $0x3  }
0x36: {  	p1 =	seq.s32 s10, $0x1;
	s10 =	sld [smem:$0x3FB9];
	_ =	sdelay $0x3  }
0x37: {  	[smem:$0x3FB9] =	sst s10  }
0x38: {  	s10 =	sld [smem:$0x3FBA]  }
0x39: {  	_ = 	snop;
	(pc) =	sbr.ind lr, $3  }
0x3a: {  	_ = 	snop  }
0x3b: {  	_ = 	snop  }
0x3c: {  	p2 =	seq.s32 s10, $0x1;
	s10 =	sld [smem:$0x3FB9]  }
0x3d: {  	_ =	shalt  }
0x3e: {  	_ =	shalt  }
0x3f: {  	_ =	shalt  }
0x40: {  	_ =	shalt  }
0x41: {  	_ =	shalt  }
0x42: {  	_ =	shalt  }
0x43: {  	_ =	shalt  }
0x44: {  	_ =	shalt  }
0x45: {  	_ =	shalt  }
0x46: {  	_ =	shalt  }
0x47: {  	_ =	shalt  }
0x48: {  	_ =	shalt  }
0x49: {  	_ =	shalt  }
0x4a: {  	_ =	shalt  }
0x4b: {  	_ =	shalt  }
0x4c: {  	_ =	shalt  }
0x4d: {  	_ =	shalt  }
0x4e: {  	_ =	shalt  }
0x4f: {  	_ =	shalt  }
0x50: {  	_ =	shalt  }
0x51: {  	_ =	shalt  }
0x52: {  	_ =	shalt  }
0x53: {  	_ =	shalt  }
0x54: {  	_ =	shalt  }
0x55: {  	_ =	shalt  }
0x56: {  	_ =	shalt  }
0x57: {  	_ =	shalt  }
0x58: {  	_ =	shalt  }
0x59: {  	_ =	shalt  }
0x5a: {  	_ =	shalt  }
0x5b: {  	_ =	shalt  }
0x5c: {  	_ =	shalt  }
0x5d: {  	_ =	shalt  }
0x5e: {  	_ =	shalt  }
0x5f: {  	_ =	shalt  }
0x60: {  	_ =	shalt  }
0x61: {  	_ =	shalt  }
0x62: {  	_ =	shalt  }
0x63: {  	_ =	shalt  }
0x64: {  	_ =	shalt  }
0x65: {  	_ =	shalt  }
0x66: {  	_ =	shalt  }
0x67: {  	_ =	shalt  }
0x68: {  	_ =	shalt  }
0x69: {  	_ =	shalt  }
0x6a: {  	_ =	shalt  }
0x6b: {  	_ =	shalt  }
0x6c: {  	_ =	shalt  }
0x6d: {  	_ =	shalt  }
0x6e: {  	_ =	shalt  }
0x6f: {  	_ =	shalt  }
0x70: {  	_ =	shalt  }
0x71: {  	_ =	shalt  }
0x72: {  	_ =	shalt  }
0x73: {  	_ =	shalt  }
0x74: {  	_ =	shalt  }
0x75: {  	_ =	shalt  }
0x76: {  	_ =	shalt  }
0x77: {  	_ =	shalt  }
0x78: {  	_ =	shalt  }
0x79: {  	_ =	shalt  }
0x7a: {  	_ =	shalt  }
0x7b: {  	_ =	shalt  }
0x7c: {  	_ =	shalt  }
0x7d: {  	_ =	shalt  }
0x7e: {  	_ =	shalt  }
0x7f: {  	_ =	shalt  }
0x80: {  	_ =	shalt  }
0x81: {  	_ =	shalt  }
0x82: {  	_ =	shalt  }
0x83: {  	_ =	shalt  }
0x84: {  	_ =	shalt  }
0x85: {  	_ =	shalt  }
0x86: {  	_ =	shalt  }
0x87: {  	_ =	shalt  }
.Lfunc_end0:
.L_simem_size_0:
called_computation_lowered:
.L_overlay_start_0:
0x88: {  	s2 =	sld [smem:$0x3FD9]  }
0x89: {  	s3 =	sld [smem:$0x3FFE];
	_ =	sdelay $0x1  }
0x8a: {  	s1 =	srdreg.scid  }
0x8b: {  	s0 =	sand.u32 $0x1, s1  }
0x8c: {  	s15 =	sshll.u32 s0, $0xA;
	s2 =	sadd.s32 s3, s2  }
0x8d: {  	s2 =	sadd.s32 s2, s15  }
0x8e: {  	[smem:$0x3FC5] =	sst s2  }
0x8f: {  	_ = 	snop  }
0x90: {  	s2 =	sld [smem:$0x3FD0];
	_ =	sdelay $0x1  }
0x91: {  	s16 =	sld [smem:$0x3FC8]  }
0x92: {  	s5 =	simm.s32 $0xA;
	s6 =	simm.s32 $0x10;
	s4 =	sld [smem:$0x3FC7]  }
0x93: {  	[smem:s6], [sflag:s5] =	dma.local [hbm:s2], $0x1  }
0x94: {  	_ =	swait.eq [sflag:s5], $0x1  }
0x95: {  	s17 =	sld [smem:$0x13]  }
0x96: {  	s18 =	sld [smem:$0x14];
	[sflag:s5] =	ssyncset.done $0x0  }
0x97: {  	s7 =	sld [smem:$0x15];
	[sflag:s5] =	ssyncadd.s32 $0xFFFFFFFF  }
0x98: {  	s19 =	sld [smem:$0x16];
	(tm) =	ssettm $0x1  }
0x99: {  	s8 =	sld [smem:$0x3FFB];
	_ =	sdelay $0x3  }
0x9a: {  	_ =	strace s8  }
0x9b: {  	s8 =	sld [smem:$0x3FFC];
	_ =	sdelay $0x3  }
0x9c: {  	_ =	strace s8  }
0x9d: {  	s8 =	sld [smem:$0x3FFD];
	_ =	sdelay $0x3  }
0x9e: {  	_ =	strace s8  }
0x9f: {  	_ =	strace $0x8FFFFFFF  }
0xa0: {  	s20 =	sld [smem:$0x3FDB];
	_ =	sdelay $0x1  }
0xa1: {  	s9 =	simm.s32 $_scs_section_size  }
0xa2: {  	s10 =	simm.s32 $_size__tile_overlayer_lowered;
	s11 =	simm.s32 $_tile_overlayer_lowered  }
0xa3: {  	s23 =	simm.s32 $0x1BFF;
	s22 =	sshll.u32 s11, $0x1;
	s8 =	sadd.s32 s9, s20  }
0xa4: {  	s12 =	simm.s32 $0x0;
	s21 =	sshll.u32 s10, $0x1;
	s10 =	sadd.s32 s22, s8  }
0xa5: {  	[timem:s12], [sflag:s23] =	dma.local [hbm:s10], s21  }
0xa6: {  	_ =	swait.ge [sflag:s23], s21  }
0xa7: {  	s9 =	ssub.s32 $0x0, s21;
	[sflag:s23] =	ssyncset.done $0x0  }
0xa8: {  	[sflag:s23] =	ssyncadd.s32 s9;
	_ =	sdelay $0x1  }
0xa9: {  	s24 =	simm.s32 $0x1B8B  }
0xaa: {  	_ =	swait.ge [sflag:s24], $0x1  }
0xab: {  	[sflag:s24] =	ssyncset.done $0x0  }
0xac: {  	s25 =	simm.s32 $0x1B8E;
	[sflag:s24] =	ssyncadd.s32 $0xFFFFFFFF  }
0xad: {  	s26 =	simm.s32 $execute0_lowered;
	[smem:$0x3FD2] =	sst s25  }
0xae: {  	s9 =	sshll.u32 s26, $0x1;
	_ =	strace $0x80000046;
	[dreg:$0x1] =	wrdreg $0xFFFFFFFF  }
0xaf: {  	s28 =	simm.s32 $_size_execute0_lowered;
	s8 =	sadd.s32 s8, s9;
	[dreg:$0x0] =	wrdreg $0x0  }
0xb0: {  	s9 =	sshll.u32 s28, $0x1;
	[dreg:$0x2] =	wrdreg s8  }
0xb1: {  	[dreg:$0x3] =	wrdreg s9  }
0xb2: {  	[dreg:$0x4] =	wrdreg $0xC0  }
0xb3: {  	_ =	task [dreg:s12], $0x5FFFF  }
0xb4: {  	[dreg:$0x1] =	wrdreg $0xFFFFFFFF  }
0xb5: {  	[dreg:$0x0] =	wrdreg $0x60  }
0xb6: {  	[dreg:$0x2] =	wrdreg s16  }
0xb7: {  	[dreg:$0x3] =	wrdreg s4  }
0xb8: {  	[dreg:$0x4] =	wrdreg s19  }
0xb9: {  	[dreg:$0x5] =	wrdreg s7  }
0xba: {  	[dreg:$0x6] =	wrdreg s18  }
0xbb: {  	[dreg:$0x7] =	wrdreg s17  }
0xbc: {  	[dreg:$0x8] =	wrdreg $0x9  }
0xbd: {  	_ =	task.clear_ibuf [dreg:s12], $0x9FFFF;
	_ =	strace $0x90000046  }
0xbe: {  	s29 =	simm.s32 $0x9;
	_ =	strace $0x80000048  }
0xbf: {  	_ =	swait.ge [sflag:s29], $0x1  }
0xc0: {  	[sflag:s29] =	ssyncadd.s32 $0xFFFFFFFF  }
0xc1: {  	_ =	strace $0x90000048  }
0xc2: {  	_ =	sfence  }
0xc3: {  	s30 =	sld [smem:$0x0];
	_ =	sdelay $0x2  }
0xc4: {  	s31 =	sshll.u32 s1, $0xD;
	s1 =	sshrl.u32 s1, $0x2  }
0xc5: {  	s3 =	sand.u32 $0x4000, s31;
	s1 =	sadd.s32 s1, s30  }
0xc6: {  	s0 =	sor.u32 s3, s0;
	s1 =	sshll.u32 s1, $0x11  }
0xc7: {  	s0 =	sor.u32 s1, s0  }
0xc8: {  	s0 =	sadd.s32 $0x8F2B, s0  }
0xc9: {  	[sflag:s0] =	ssyncadd.remote.s32 $0x1  }
0xca: {  	_ =	sfence.sel $0xFFFF  }
0xcb: {  	[dreg:$0x0] =	wrdreg $0xFFFFFFFF;
	(pc) =	sbr.abs _section_cstart, $3  }
0xcc: {  	[dreg:$0x1] =	wrdreg $0xFFFFFFFF  }
0xcd: {  	_ =	task.clear_ibuf [dreg:s12], $0x2FFFF;
	_ =	strace $0x9FFFFFFF  }
0xce: {  	(tm) =	ssettm $0x7FFFFFFF  }
0xcf: {  	_ =	shalt  }
tec
execute0_lowered:
.L_overlay_start_1:
0x0: {  	(tag) =	ssettag $0x1  }
0x1: {  	s0 =	rddreg [dreg:$0x2]  }
0x2: {  	s1 =	rddreg [dreg:$0x3]  }
0x3: {  	s2 =	rddreg [dreg:$0x4]  }
0x4: {  	s3 =	rddreg [dreg:$0x5]  }
0x5: {  	s5 =	srdreg.scid;
	s6 =	stileid.u32  }
0x6: {  	s4 =	simm.s32 $0x0;
	s16 =	simm.s32 $0x1;
	s17 =	simm.s32 $0x2  }
0x7: {  	s18 =	simm.s32 $0x3;
	s5 =	sand.u32 $0x1, s5;
	s6 =	sshll.u32 s6, $0x1  }
0x8: {  	s22 =	simm.s32 $0x0;
	[smem:$0x7FF] =	sst s4;
	s12 =	sor.u32 s5, s6  }
0x9: {  	_ =	strace $0x80000047;
	s5 =	ssub.s32 $0x2, s5;
	s6 =	sshll.u32 s12, $0xD  }
0xa: {  	s7 =	sshrl.u32 s5, $0x1;
	s10 =	sshll.u32 s12, $0xA;
	p0 =	sne.s32 s12, $0x0  }
0xb: {  	s6 =	sadd.s32 $0xFFFFFE00, s6;
	s11 =	ssub.s32 s5, s7;
	s5 =	sadd.s32 s0, s10  }
0xc: {  	v0 =	vimm.s32 $0x0;
	v1 =	vimm.s32 $0x8;
	s8 =	sadd.s32 s1, s10;
	s30 =	sshrl.u32 s6, $0x3;
	s31 =	sadd.s32 $0x200, s5  }
0xd: {  	v2 =	vimm.s32 $0x2;
	v3 =	vimm.s32 $0xA;
	v4 =	vimm.s32 $0x3;
	s9 =	sadd.s32 s2, s10;
	[dreg:$0x7] =	wrdreg s31;
	s0 =	sadd.s32 s0, s30  }
0xe: {  	v5 =	vimm.s32 $0xB;
	v6 =	vlaneseq.u32;
	v7 =	vimm.f32 $1.000000000e+00;
	s10 =	sadd.s32 s3, s10;
	s11 =	smax.u32 s11, $0x1;
	[dreg:$0x8] =	wrdreg s0  }
.LBB2_1:
0xf: {  	s0 =	rddreg [dreg:$0x0];
	s1 =	simm.s32 $0x2280  }
0x10: {  	[tilespmem:s1], [sflag:$0x1] =	stream.linear.gather [hbm4b:s0+s4], $0x4, $0x38;
	[tilespmem:$0x8300] =	vst v63  }
0x11: {  	s25 =	rddreg [dreg:$0x1];
	s26 =	simm.s32 $0x2288  }
0x12: {  	[tilespmem:s26], [sflag:$0x2] =	stream.linear.gather [hbm4b:s25+s4], $0x4, $0x38;
	[tilespmem:$0x8300] =	vst v63  }
0x13: {  	s28 =	simm.s32 $0x208  }
0x14: {  	[tilespmem:s28], [sflag:$0x3] =	stream.linear.gather [hbm4b:s5+s4], $0x1000, $0x38;
	[tilespmem:$0x8300] =	vst v63  }
0x15: {  	s30 =	rddreg [dreg:$0x7];
	s31 =	simm.s32 $0x1208  }
0x16: {  	[tilespmem:s31], [sflag:$0x3] =	stream.linear.gather [hbm4b:s30+s4], $0x1000, $0x38;
	[tilespmem:$0x8300] =	vst v63  }
0x17: {  	s2 =	rddreg [dreg:$0x8];
	s0 =	simm.s32 @p0 $0x0;
	s1 =	simm.s32 @p0 $0x8  }
0x18: {  	[tilespmem:s1], [sflag:$0x4] =	stream.linear.gather @p0 [hbm4b:s2+s0], $0x200, $0x38;
	[tilespmem:$0x8300] =	vst v63  }
0x19: {  	s0 =	simm.s32 @p0 $0x4  }
0x1a: {  	_ =	swait.ge @p0 [sflag:s0], $0x200  }
0x1b: {  	[sflag:s0] =	ssyncset.done @p0 $0x0  }
0x1c: {  	v8 =	vimm.s32 @!p0 $0x0;
	[sflag:s0] =	ssyncadd.s32 @p0 $0xFFFFFE00  }
0x1d: {  	[tilespmem:$0x8] =	vst @!p0 v8  }
0x1e: {  	[tilespmem:$0x18] =	vst @!p0 v8  }
0x1f: {  	[tilespmem:$0x28] =	vst @!p0 v8  }
0x20: {  	[tilespmem:$0x38] =	vst @!p0 v8  }
0x21: {  	[tilespmem:$0x48] =	vst @!p0 v8  }
0x22: {  	[tilespmem:$0x58] =	vst @!p0 v8  }
0x23: {  	[tilespmem:$0x68] =	vst @!p0 v8  }
0x24: {  	[tilespmem:$0x78] =	vst @!p0 v8  }
0x25: {  	[tilespmem:$0x88] =	vst @!p0 v8  }
0x26: {  	[tilespmem:$0x98] =	vst @!p0 v8  }
0x27: {  	[tilespmem:$0xA8] =	vst @!p0 v8  }
0x28: {  	[tilespmem:$0xB8] =	vst @!p0 v8  }
0x29: {  	[tilespmem:$0xC8] =	vst @!p0 v8  }
0x2a: {  	[tilespmem:$0xD8] =	vst @!p0 v8  }
0x2b: {  	[tilespmem:$0xE8] =	vst @!p0 v8  }
0x2c: {  	[tilespmem:$0xF8] =	vst @!p0 v8  }
0x2d: {  	[tilespmem:$0x108] =	vst @!p0 v8  }
0x2e: {  	[tilespmem:$0x118] =	vst @!p0 v8  }
0x2f: {  	[tilespmem:$0x128] =	vst @!p0 v8  }
0x30: {  	[tilespmem:$0x138] =	vst @!p0 v8  }
0x31: {  	[tilespmem:$0x148] =	vst @!p0 v8  }
0x32: {  	[tilespmem:$0x158] =	vst @!p0 v8  }
0x33: {  	[tilespmem:$0x168] =	vst @!p0 v8  }
0x34: {  	[tilespmem:$0x178] =	vst @!p0 v8  }
0x35: {  	[tilespmem:$0x188] =	vst @!p0 v8  }
0x36: {  	[tilespmem:$0x198] =	vst @!p0 v8  }
0x37: {  	[tilespmem:$0x1A8] =	vst @!p0 v8  }
0x38: {  	[tilespmem:$0x1B8] =	vst @!p0 v8  }
0x39: {  	[tilespmem:$0x1C8] =	vst @!p0 v8  }
0x3a: {  	[tilespmem:$0x1D8] =	vst @!p0 v8  }
0x3b: {  	[tilespmem:$0x1E8] =	vst @!p0 v8  }
0x3c: {  	[tilespmem:$0x1F8] =	vst @!p0 v8  }
0x3d: {  	_ =	swait.ge [sflag:s16], $0x4  }
0x3e: {  	[sflag:s16] =	ssyncset.done $0x0  }
0x3f: {  	[sflag:s16] =	ssyncadd.s32 $0xFFFFFFFC  }
0x40: {  	_ =	swait.ge [sflag:s17], $0x4  }
0x41: {  	[sflag:s17] =	ssyncset.done $0x0  }
0x42: {  	[sflag:s17] =	ssyncadd.s32 $0xFFFFFFFC  }
0x43: {  	v12 =	vld [tilespmem:$0x2280];
	_ =	sdelay $0x4  }
0x44: {  	v8 =	vperm.xlane v12, v0  }
0x45: {  	v10 =	vperm.xlane v12, v1  }
0x46: {  	v14 =	vperm.xlane v12, v2;
	v17 =	vperm.xlane v12, v3;
	v9 =	vadd.f32 $-1.000000000e+00, v8  }
0x47: {  	v19 =	vperm.xlane v12, v5;
	v11 =	vclamp.gez.f32 v8, $1.000000000e+00;
	v8 =	vadd.f32 $-1.000000000e+00, v10  }
0x48: {  	v16 =	vadd.f32 $-1.000000000e+00, v14;
	v14 =	vclamp.gez.f32 v14, $1.000000000e+00;
	v13 =	vclamp.gez.f32 v9, $1.000000000e+00  }
0x49: {  	v9 =	vclamp.gez.f32 v10, $1.000000000e+00;
	v15 =	vclamp.gez.f32 v8, $1.000000000e+00  }
0x4a: {  	v8 =	vmul.f32 v9, v11;
	v9 =	vmul.f32 v9, v13  }
0x4b: {  	v10 =	vmul.f32 v15, v11;
	v11 =	vmul.f32 v15, v13  }
0x4c: {  	v15 =	vclamp.gez.f32 v16, $1.000000000e+00;
	v13 =	vadd.f32 $-1.000000000e+00, v17;
	v16 =	vclamp.gez.f32 v17, $1.000000000e+00  }
0x4d: {  	v17 =	vperm.xlane v12, v4;
	v12 =	vmul.f32 v16, v14  }
0x4e: {  	_ =	swait.ge [sflag:s18], $0x1000;
	v18 =	vclamp.gez.f32 v13, $1.000000000e+00;
	v13 =	vmul.f32 v16, v15  }
0x4f: {  	[sflag:s18] =	ssyncset.done $0x0;
	v16 =	vadd.f32 $-1.000000000e+00, v17;
	v20 =	vclamp.gez.f32 v17, $1.000000000e+00;
	v17 =	vclamp.gez.f32 v19, $1.000000000e+00  }
0x50: {  	[sflag:s18] =	ssyncadd.s32 $0xFFFFF000;
	v14 =	vmul.f32 v18, v14;
	v15 =	vmul.f32 v18, v15;
	v18 =	vadd.f32 $-1.000000000e+00, v19  }
0x51: {  	s23 =	simm.s32 $0x2300;
	s24 =	simm.s32 $0x4300;
	_ =	swait.ge [sflag:s18], $0x1000;
	v21 =	vclamp.gez.f32 v16, $1.000000000e+00;
	v16 =	vmul.f32 v17, v20  }
0x52: {  	s21 =	simm.s32 $0x0;
	s29 =	simm.s32 $0x0;
	[sflag:s18] =	ssyncset.done $0x0;
	v19 =	vclamp.gez.f32 v18, $1.000000000e+00;
	v17 =	vmul.f32 v17, v21  }
0x53: {  	s25 =	simm.s32 $0x6300;
	s26 =	simm.s32 $0x0;
	[sflag:s18] =	ssyncadd.s32 $0xFFFFF000;
	v18 =	vmul.f32 v19, v20;
	v19 =	vmul.f32 v19, v21  }
.LBB2_2:
0x54: {  	s2 =	sshll.u32 s29, $0x4  }
0x55: {  	v20 =	vmov s2;
	v26 =	vld [tilespmem:s2+$0x8]  }
0x56: {  	s0 =	sand.u32 $0x1D80, s21;
	v27 =	vld [tilespmem:s2+$0x7];
	vm0 =	veq.s32 v20, v6  }
0x57: {  	s3 =	sand.u32 $0x60, s2;
	s1 =	sor.u32 $0x200, s0;
	v25 =	vsel vm0, $0x0, v7  }
0x58: {  	s0 =	sor.u32 s1, s3;
	v20 =	vmul.f32 v25, v10  }
0x59: {  	v28 =	vld [tilespmem:s0+$0x8];
	v21 =	vmul.f32 v25, v11;
	v22 =	vmul.f32 v25, v14  }
0x5a: {  	v31 =	vld [tilespmem:s0+$0x7];
	v23 =	vmul.f32 v25, v15;
	v24 =	vmul.f32 v25, v18  }
0x5b: {  	v25 =	vmul.f32 v25, v19;
	vm0 =	veq.s32 v26, $0x1;
	vm1 =	veq.s32 v27, $0x1  }
0x5c: {  	v29 =	vnsel vm0, $0x0, v9;
	v30 =	vnsel vm1, $0x0, v21;
	vm0 =	veq.s32 v26, $0x2  }
0x5d: {  	vm1 =	veq.s32 v27, $0x2;
	v29 =	vadd.f32 v30, v29;
	v30 =	vnsel vm0, $0x0, v13  }
0x5e: {  	v32 =	vnsel vm1, $0x0, v23;
	vm0 =	veq.s32 v26, $0x3;
	vm1 =	veq.s32 v27, $0x3  }
0x5f: {  	vm2 =	veq.s32 v28, $0x3;
	vm3 =	veq.s32 v31, $0x1;
	vm4 =	veq.s32 v31, $0x2  }
0x60: {  	vm5 =	veq.s32 v31, $0x3;
	v26 =	vadd.f32 v32, v30;
	v27 =	vnsel vm0, $0x0, v17  }
0x61: {  	v30 =	vnsel vm1, $0x0, v25;
	vm0 =	veq.s32 v28, $0x1;
	vm1 =	veq.s32 v28, $0x2  }
0x62: {  	v60 =	vnsel vm3, $0x0, v20;
	v31 =	vnsel vm4, $0x0, v22;
	v28 =	vnsel vm0, $0x0, v8  }
0x63: {  	v27 =	vadd.f32 v30, v27;
	v30 =	vnsel vm1, $0x0, v12;
	v28 =	vadd.f32 v60, v28  }
0x64: {  	v61 =	vnsel vm2, $0x0, v16;
	v33 =	vnsel vm5, $0x0, v24;
	v30 =	vadd.f32 v31, v30  }
0x65: {  	v31 =	vadd.f32 v33, v61;
	v28 =	vadd.f32 v28, v29  }
0x66: {  	v26 =	vadd.f32 v30, v26  }
0x67: {  	s20 =	sshll.u32 s21, $0x2;
	s12 =	sand.u32 $0x3, s26;
	v27 =	vadd.f32 v31, v27;
	v28 =	vsub.f32 $1.000000000e+00, v28  }
0x68: {  	s12 =	sshll.u32 s12, $0x7;
	s0 =	sand.u32 $0xFFFFFE00, s20;
	v26 =	vsub.f32 $1.000000000e+00, v26  }
0x69: {  	s0 =	sor.u32 s12, s0;
	v27 =	vsub.f32 $1.000000000e+00, v27;
	[tilespmem:s23+$0x0] =	vst v28  }
0x6a: {  	s12 =	sshrl.u32 s0, $0x2;
	[tilespmem:s24+$0x0] =	vst v26  }
0x6b: {  	s13 =	sadd.s32 $0x408, s12;
	[tilespmem:s25+$0x0] =	vst v27  }
0x6c: {  	v28 =	vld [tilespmem:s13+$0x0]  }
0x6d: {  	v62 =	vnsel vm0, $0x0, v9;
	v30 =	vld [tilespmem:s13+$0xFFFFFFFF]  }
0x6e: {  	v63 =	vnsel vm1, $0x0, v13;
	v31 =	vnsel vm2, $0x0, v17;
	v26 =	vnsel vm5, $0x0, v25  }
0x6f: {  	v29 =	vnsel vm4, $0x0, v23;
	v27 =	vnsel vm3, $0x0, v21;
	v26 =	vadd.f32 v26, v31  }
0x70: {  	v35 =	vadd.f32 v27, v62;
	v27 =	vadd.f32 v29, v63  }
0x71: {  	vm0 =	veq.s32 v28, $0x1;
	vm1 =	veq.s32 v28, $0x2;
	vm2 =	veq.s32 v28, $0x3  }
0x72: {  	vm3 =	veq.s32 v30, $0x1;
	vm15 =	veq.s32 v30, $0x2;
	v32 =	vnsel vm2, $0x0, v17  }
0x73: {  	v28 =	vnsel vm0, $0x0, v8;
	v29 =	vnsel vm3, $0x0, v20;
	v31 =	vnsel vm15, $0x0, v22  }
0x74: {  	s14 =	simm.s32 $0x0;
	s15 =	sadd.s32 $0x400, s25;
	s19 =	sadd.s32 $0x400, s24;
	v34 =	vnsel vm15, $0x0, v23;
	v36 =	vadd.f32 v29, v28;
	v29 =	vnsel vm1, $0x0, v12  }
0x75: {  	s28 =	smov.u32 s21;
	s20 =	sadd.s32 $0x400, s23;
	s30 =	sadd.s32 $0x6510, s12;
	v28 =	vnsel vm2, $0x0, v16;
	vm2 =	veq.s32 v30, $0x3;
	v29 =	vadd.f32 v31, v29  }
0x76: {  	s31 =	sadd.s32 $0x4510, s12;
	s0 =	sadd.s32 $0x2510, s12;
	s12 =	sadd.s32 $0x418, s12;
	v33 =	vnsel vm3, $0x0, v21;
	v31 =	vnsel vm2, $0x0, v24;
	v30 =	vadd.f32 v36, v35  }
.LBB2_3:
0x77: {  	s14 =	sadd.s32 $0x2, s14;
	v28 =	vadd.f32 v31, v28;
	v31 =	vnsel vm2, $0x0, v25;
	v27 =	vadd.f32 v29, v27;
	s28 =	sadd.s32 $0x400, s28;
	s13 =	sadd.s32 $0x400, s13  }
0x78: {  	p1 =	slt.u32 s14, $0xE;
	v29 =	vadd.f32 v31, v32;
	v30 =	vsub.f32 $1.000000000e+00, v30  }
0x79: {  	s6 =	sor.u32 s3, s1;
	v31 =	vnsel vm1, $0x0, v13;
	v27 =	vsub.f32 $1.000000000e+00, v27;
	v26 =	vadd.f32 v28, v26  }
0x7a: {  	v28 =	vadd.f32 v34, v31;
	[tilespmem:s6+$0x2300] =	vst v30  }
0x7b: {  	s1 =	sand.u32 $0x1D80, s28;
	v30 =	vnsel vm0, $0x0, v9;
	[tilespmem:s6+$0x4300] =	vst v27;
	v26 =	vsub.f32 $1.000000000e+00, v26  }
0x7c: {  	s1 =	sor.u32 $0x200, s1;
	v27 =	vadd.f32 v33, v30  }
0x7d: {  	s7 =	sor.u32 s1, s3;
	[tilespmem:s6+$0x6300] =	vst v26  }
0x7e: {  	v26 =	vld [tilespmem:s7+$0x8]  }
0x7f: {  	v30 =	vld [tilespmem:s7+$0x7];
	_ =	sdelay $0x3  }
0x80: {  	vm0 =	veq.s32 v26, $0x1;
	vm1 =	veq.s32 v26, $0x2;
	vm2 =	veq.s32 v26, $0x3  }
0x81: {  	vm3 =	veq.s32 v30, $0x1;
	v26 =	vnsel vm0, $0x0, v8;
	v31 =	vnsel vm1, $0x0, v12  }
0x82: {  	vm4 =	veq.s32 v30, $0x2;
	vm5 =	veq.s32 v30, $0x3;
	v32 =	vnsel vm3, $0x0, v20  }
0x83: {  	v30 =	vnsel vm2, $0x0, v16;
	v26 =	vadd.f32 v32, v26;
	v32 =	vnsel vm5, $0x0, v24  }
0x84: {  	v33 =	vnsel vm3, $0x0, v21;
	v34 =	vnsel vm4, $0x0, v22;
	v30 =	vadd.f32 v32, v30  }
0x85: {  	v31 =	vadd.f32 v34, v31;
	v32 =	vnsel vm4, $0x0, v23;
	v26 =	vadd.f32 v26, v27  }
0x86: {  	v27 =	vnsel vm5, $0x0, v25;
	v29 =	vadd.f32 v30, v29  }
0x87: {  	v28 =	vadd.f32 v31, v28;
	v26 =	vsub.f32 $1.000000000e+00, v26  }
0x88: {  	v29 =	vsub.f32 $1.000000000e+00, v29  }
0x89: {  	[tilespmem:s20+$0x0] =	vst v26;
	v26 =	vsub.f32 $1.000000000e+00, v28;
	_ =	sdelay $0x1  }
0x8a: {  	[tilespmem:s19+$0x0] =	vst v26  }
0x8b: {  	[tilespmem:s15+$0x0] =	vst v29  }
0x8c: {  	v28 =	vld [tilespmem:s13+$0x0]  }
0x8d: {  	v30 =	vld [tilespmem:s13+$0xFFFFFFFF]  }
0x8e: {  	v26 =	vnsel vm2, $0x0, v17  }
0x8f: {  	v31 =	vnsel vm1, $0x0, v13;
	v29 =	vnsel vm0, $0x0, v9;
	v26 =	vadd.f32 v27, v26  }
0x90: {  	v27 =	vadd.f32 v32, v31;
	v35 =	vadd.f32 v33, v29  }
0x91: {  	vm0 =	veq.s32 v28, $0x1;
	vm1 =	veq.s32 v28, $0x2;
	vm2 =	veq.s32 v28, $0x3  }
.Ltmp0:
0x92: {  	vm3 =	veq.s32 v30, $0x1;
	vm4 =	veq.s32 v30, $0x2;
	v32 =	vnsel vm2, $0x0, v17;
	(pc) =	sbr.rel @p1 .LBB2_3-.Ltmp0, $4  }
0x93: {  	v28 =	vnsel vm0, $0x0, v8;
	v29 =	vnsel vm3, $0x0, v20;
	v31 =	vnsel vm4, $0x0, v22  }
0x94: {  	v36 =	vadd.f32 v29, v28;
	v29 =	vnsel vm1, $0x0, v12;
	v28 =	vnsel vm2, $0x0, v16  }
0x95: {  	v34 =	vnsel vm4, $0x0, v23;
	vm2 =	veq.s32 v30, $0x3;
	v29 =	vadd.f32 v31, v29  }
0x96: {  	s20 =	sadd.s32 $0x400, s20;
	s19 =	sadd.s32 $0x400, s19;
	s15 =	sadd.s32 $0x400, s15;
	v33 =	vnsel vm3, $0x0, v21;
	v31 =	vnsel vm2, $0x0, v24;
	v30 =	vadd.f32 v36, v35  }
0x97: {  	v20 =	vld [tilespmem:s2+$0x18]  }
0x98: {  	v21 =	vld [tilespmem:s2+$0x17]  }
0x99: {  	v22 =	vld [tilespmem:s12+$0xFFFFFDFF]  }
0x9a: {  	v25 =	vld [tilespmem:s12+$0xFFFFFE00];
	_ =	sdelay $0x3  }
0x9b: {  	vm0 =	veq.s32 v20, $0x1;
	vm1 =	veq.s32 v21, $0x1  }
0x9c: {  	vm2 =	veq.s32 v22, $0x2;
	vm3 =	veq.s32 v25, $0x1;
	vm4 =	veq.s32 v25, $0x2  }
0x9d: {  	vm5 =	veq.s32 v25, $0x3;
	v23 =	vnsel vm0, $0x0, v9;
	v24 =	vnsel vm1, $0x0, v11  }
0x9e: {  	vm0 =	veq.s32 v20, $0x2;
	vm1 =	veq.s32 v21, $0x2;
	v60 =	vnsel vm4, $0x0, v12  }
0x9f: {  	v23 =	vadd.f32 v24, v23;
	v24 =	vnsel vm0, $0x0, v13;
	v32 =	vnsel vm1, $0x0, v15  }
0xa0: {  	vm0 =	veq.s32 v20, $0x3;
	vm1 =	veq.s32 v21, $0x3;
	v20 =	vadd.f32 v32, v24  }
0xa1: {  	v21 =	vnsel vm0, $0x0, v17;
	v24 =	vnsel vm1, $0x0, v19;
	vm1 =	veq.s32 v22, $0x1  }
0xa2: {  	v21 =	vadd.f32 v24, v21;
	v24 =	vnsel vm3, $0x0, v8;
	v59 =	vnsel vm1, $0x0, v10  }
0xa3: {  	vm0 =	veq.s32 v22, $0x3;
	v22 =	vnsel vm2, $0x0, v14;
	v24 =	vadd.f32 v59, v24  }
0xa4: {  	v25 =	vnsel vm5, $0x0, v16;
	v22 =	vadd.f32 v22, v60;
	v61 =	vnsel vm0, $0x0, v18  }
0xa5: {  	v25 =	vadd.f32 v61, v25;
	v23 =	vadd.f32 v24, v23  }
0xa6: {  	v20 =	vadd.f32 v22, v20  }
0xa7: {  	v21 =	vadd.f32 v25, v21;
	v22 =	vsub.f32 $1.000000000e+00, v23  }
0xa8: {  	v20 =	vsub.f32 $1.000000000e+00, v20  }
0xa9: {  	v21 =	vsub.f32 $1.000000000e+00, v21;
	[tilespmem:s0+$0xFFFFFE00] =	vst v22  }
0xaa: {  	[tilespmem:s31+$0xFFFFFE00] =	vst v20  }
0xab: {  	v22 =	vadd.f32 v29, v27;
	[tilespmem:s30+$0xFFFFFE00] =	vst v21  }
0xac: {  	v63 =	vnsel vm5, $0x0, v17;
	v62 =	vnsel vm1, $0x0, v11;
	v20 =	vadd.f32 v31, v28;
	v25 =	vld [tilespmem:s12+$0x0]  }
0xad: {  	v27 =	vnsel vm3, $0x0, v9;
	v21 =	vsub.f32 $1.000000000e+00, v30;
	v24 =	vsub.f32 $1.000000000e+00, v22;
	v23 =	vld [tilespmem:s12+$0xFFFFFFFF]  }
0xae: {  	v22 =	vnsel vm2, $0x0, v15;
	v26 =	vadd.f32 v20, v26;
	v20 =	vnsel vm4, $0x0, v13  }
0xaf: {  	s28 =	sor.u32 s3, s1;
	v20 =	vadd.f32 v22, v20;
	v22 =	vadd.f32 v62, v27;
	v27 =	vnsel vm0, $0x0, v19  }
0xb0: {  	s1 =	sadd.s32 $0x400, s0;
	s13 =	sadd.s32 $0x400, s30;
	s3 =	sadd.s32 $0x400, s31;
	[tilespmem:s28+$0x2300] =	vst v21;
	v26 =	vsub.f32 $1.000000000e+00, v26;
	v21 =	vadd.f32 v27, v63  }
0xb1: {  	s15 =	simm.s32 $0x2;
	s19 =	sadd.s32 $0x400, s1;
	s12 =	sadd.s32 $0x400, s12;
	[tilespmem:s28+$0x4300] =	vst v24;
	vm0 =	veq.s32 v25, $0x1;
	vm1 =	veq.s32 v25, $0x2;
	vm4 =	veq.s32 v25, $0x3  }
0xb2: {  	s14 =	smov.u32 s3;
	s2 =	smov.u32 s13;
	s20 =	sadd.s32 $0x400, s12;
	[tilespmem:s28+$0x6300] =	vst v26;
	vm2 =	veq.s32 v23, $0x1;
	vm3 =	veq.s32 v23, $0x2;
	v24 =	vnsel vm0, $0x0, v8  }
.LBB2_5:
0xb3: {  	s15 =	sadd.s32 $0x2, s15;
	s13 =	sadd.s32 $0x400, s13;
	s3 =	sadd.s32 $0x400, s3;
	v25 =	vnsel vm2, $0x0, v10;
	v26 =	vnsel vm1, $0x0, v12;
	vm5 =	veq.s32 v23, $0x3  }
0xb4: {  	p1 =	slt.u32 s15, $0xE;
	v23 =	vadd.f32 v25, v24;
	v24 =	vnsel vm3, $0x0, v14;
	v25 =	vnsel vm4, $0x0, v16  }
0xb5: {  	v27 =	vnsel vm5, $0x0, v19;
	v24 =	vadd.f32 v24, v26;
	v26 =	vnsel vm5, $0x0, v18  }
0xb6: {  	v25 =	vadd.f32 v26, v25;
	v26 =	vnsel vm4, $0x0, v17;
	v22 =	vadd.f32 v23, v22  }
0xb7: {  	v23 =	vadd.f32 v27, v26;
	v20 =	vadd.f32 v24, v20  }
0xb8: {  	v24 =	vnsel vm1, $0x0, v13;
	v22 =	vsub.f32 $1.000000000e+00, v22;
	v21 =	vadd.f32 v25, v21  }
0xb9: {  	v26 =	vnsel vm3, $0x0, v15;
	v25 =	vnsel vm2, $0x0, v11;
	v20 =	vsub.f32 $1.000000000e+00, v20  }
0xba: {  	v27 =	vnsel vm0, $0x0, v9;
	v24 =	vadd.f32 v26, v24;
	[tilespmem:s0+$0x0] =	vst v22;
	v21 =	vsub.f32 $1.000000000e+00, v21;
	s0 =	smov.u32 s1;
	s1 =	smov.u32 s19  }
0xbb: {  	v22 =	vadd.f32 v25, v27;
	[tilespmem:s31+$0x0] =	vst v20;
	s31 =	smov.u32 s14;
	s14 =	smov.u32 s3  }
0xbc: {  	[tilespmem:s30+$0x0] =	vst v21;
	s30 =	smov.u32 s2;
	s2 =	smov.u32 s13  }
0xbd: {  	v20 =	vld [tilespmem:s12+$0xFFFFFDFF]  }
0xbe: {  	v21 =	vld [tilespmem:s12+$0xFFFFFE00];
	_ =	sdelay $0x3  }
0xbf: {  	vm0 =	veq.s32 v20, $0x1;
	vm2 =	veq.s32 v20, $0x2;
	vm1 =	veq.s32 v20, $0x3  }
0xc0: {  	vm3 =	veq.s32 v21, $0x1;
	vm4 =	veq.s32 v21, $0x2;
	v20 =	vnsel vm2, $0x0, v14  }
0xc1: {  	v26 =	vnsel vm0, $0x0, v10;
	v25 =	vnsel vm3, $0x0, v8;
	v27 =	vnsel vm4, $0x0, v12  }
0xc2: {  	vm5 =	veq.s32 v21, $0x3;
	v25 =	vadd.f32 v26, v25;
	v20 =	vadd.f32 v20, v27  }
0xc3: {  	v21 =	vnsel vm3, $0x0, v9;
	v26 =	vnsel vm5, $0x0, v16;
	v27 =	vnsel vm1, $0x0, v18  }
0xc4: {  	v26 =	vadd.f32 v27, v26;
	v27 =	vnsel vm5, $0x0, v17;
	v22 =	vadd.f32 v25, v22  }
0xc5: {  	v25 =	vnsel vm4, $0x0, v13;
	v20 =	vadd.f32 v20, v24  }
0xc6: {  	v23 =	vadd.f32 v26, v23;
	v22 =	vsub.f32 $1.000000000e+00, v22  }
0xc7: {  	v20 =	vsub.f32 $1.000000000e+00, v20  }
0xc8: {  	[tilespmem:s0+$0xFFFFFE00] =	vst v22;
	v22 =	vsub.f32 $1.000000000e+00, v23  }
0xc9: {  	[tilespmem:s31+$0xFFFFFE00] =	vst v20  }
0xca: {  	[tilespmem:s30+$0xFFFFFE00] =	vst v22  }
0xcb: {  	v24 =	vld [tilespmem:s12+$0x0]  }
0xcc: {  	v23 =	vld [tilespmem:s12+$0xFFFFFFFF];
	s12 =	smov.u32 s20  }
.Ltmp1:
0xcd: {  	v20 =	vnsel vm2, $0x0, v15;
	(pc) =	sbr.rel @p1 .LBB2_5-.Ltmp1, $4  }
0xce: {  	v22 =	vnsel vm0, $0x0, v11;
	v20 =	vadd.f32 v20, v25;
	v25 =	vnsel vm1, $0x0, v19  }
0xcf: {  	v22 =	vadd.f32 v22, v21;
	v21 =	vadd.f32 v25, v27  }
0xd0: {  	vm0 =	veq.s32 v24, $0x1;
	vm1 =	veq.s32 v24, $0x2;
	vm4 =	veq.s32 v24, $0x3  }
0xd1: {  	s19 =	sadd.s32 $0x400, s19;
	s20 =	sadd.s32 $0x400, s20;
	vm2 =	veq.s32 v23, $0x1;
	v24 =	vnsel vm0, $0x0, v8;
	vm3 =	veq.s32 v23, $0x2  }
0xd2: {  	v25 =	vnsel vm2, $0x0, v10;
	v26 =	vnsel vm1, $0x0, v12  }
0xd3: {  	vm5 =	veq.s32 v23, $0x3;
	v38 =	vnsel vm3, $0x0, v14;
	v37 =	vadd.f32 v25, v24  }
0xd4: {  	v39 =	vnsel vm4, $0x0, v16;
	v24 =	vadd.f32 v38, v26;
	v40 =	vnsel vm5, $0x0, v18  }
0xd5: {  	v25 =	vadd.f32 v40, v39;
	v22 =	vadd.f32 v37, v22  }
0xd6: {  	v20 =	vadd.f32 v24, v20  }
0xd7: {  	v21 =	vadd.f32 v25, v21;
	v22 =	vsub.f32 $1.000000000e+00, v22  }
0xd8: {  	v20 =	vsub.f32 $1.000000000e+00, v20  }
0xd9: {  	v21 =	vsub.f32 $1.000000000e+00, v21;
	[tilespmem:s0+$0x0] =	vst v22  }
0xda: {  	[tilespmem:s31+$0x0] =	vst v20  }
0xdb: {  	[tilespmem:s30+$0x0] =	vst v21  }
0xdc: {  	v20 =	vld [tilespmem:s12+$0xFFFFFDFF]  }
0xdd: {  	v21 =	vld [tilespmem:s12+$0xFFFFFE00]  }
0xde: {  	v42 =	vnsel vm4, $0x0, v17;
	v43 =	vnsel vm1, $0x0, v13  }
0xdf: {  	v44 =	vnsel vm3, $0x0, v15;
	v45 =	vnsel vm2, $0x0, v11;
	v46 =	vnsel vm0, $0x0, v9  }
0xe0: {  	v41 =	vnsel vm5, $0x0, v19;
	v23 =	vadd.f32 v44, v43;
	v47 =	vadd.f32 v45, v46  }
0xe1: {  	v22 =	vadd.f32 v41, v42;
	vm12 =	veq.s32 v20, $0x1;
	vm13 =	veq.s32 v20, $0x2  }
0xe2: {  	vm14 =	veq.s32 v20, $0x3;
	vm15 =	veq.s32 v21, $0x1;
	vm8 =	veq.s32 v21, $0x2  }
0xe3: {  	vm9 =	veq.s32 v21, $0x3;
	v48 =	vnsel vm15, $0x0, v8;
	v49 =	vnsel vm12, $0x0, v10  }
0xe4: {  	v20 =	vnsel vm13, $0x0, v14;
	v27 =	vnsel vm8, $0x0, v12;
	v25 =	vadd.f32 v49, v48  }
0xe5: {  	v21 =	vnsel vm9, $0x0, v16;
	v50 =	vnsel vm14, $0x0, v18;
	v20 =	vadd.f32 v20, v27  }
0xe6: {  	v21 =	vadd.f32 v50, v21;
	v24 =	vadd.f32 v25, v47  }
0xe7: {  	v20 =	vadd.f32 v20, v23  }
0xe8: {  	v21 =	vadd.f32 v21, v22;
	v51 =	vsub.f32 $1.000000000e+00, v24  }
0xe9: {  	v20 =	vsub.f32 $1.000000000e+00, v20  }
0xea: {  	v21 =	vsub.f32 $1.000000000e+00, v21;
	[tilespmem:s1+$0xFFFFFE00] =	vst v51  }
0xeb: {  	[tilespmem:s14+$0xFFFFFE00] =	vst v20  }
0xec: {  	[tilespmem:s2+$0xFFFFFE00] =	vst v21  }
0xed: {  	v20 =	vld [tilespmem:s12+$0x0]  }
0xee: {  	v21 =	vld [tilespmem:s12+$0xFFFFFFFF]  }
0xef: {  	v52 =	vnsel vm15, $0x0, v9;
	v53 =	vnsel vm9, $0x0, v17  }
0xf0: {  	v54 =	vnsel vm8, $0x0, v13;
	v56 =	vnsel vm12, $0x0, v11;
	v57 =	vnsel vm14, $0x0, v19  }
0xf1: {  	v55 =	vnsel vm13, $0x0, v15;
	v22 =	vadd.f32 v56, v52;
	v23 =	vadd.f32 v57, v53  }
0xf2: {  	v24 =	vadd.f32 v55, v54;
	vm10 =	veq.s32 v20, $0x1;
	vm11 =	veq.s32 v20, $0x2  }
0xf3: {  	vm12 =	veq.s32 v20, $0x3;
	vm13 =	veq.s32 v21, $0x1;
	vm14 =	veq.s32 v21, $0x2  }
0xf4: {  	vm15 =	veq.s32 v21, $0x3;
	v20 =	vnsel vm10, $0x0, v8;
	v58 =	vnsel vm13, $0x0, v10  }
0xf5: {  	v59 =	vnsel vm11, $0x0, v12;
	v60 =	vnsel vm14, $0x0, v14;
	v20 =	vadd.f32 v58, v20  }
0xf6: {  	v61 =	vnsel vm12, $0x0, v16;
	v62 =	vnsel vm15, $0x0, v18;
	v21 =	vadd.f32 v60, v59  }
0xf7: {  	v25 =	vadd.f32 v62, v61;
	v20 =	vadd.f32 v20, v22  }
0xf8: {  	p1 =	slt.u32 s29, $0x1E;
	v21 =	vadd.f32 v21, v24  }
.Ltmp2:
0xf9: {  	v63 =	vadd.f32 v25, v23;
	v20 =	vsub.f32 $1.000000000e+00, v20;
	(pc) =	sbr.rel @p1 .LBB2_2-.Ltmp2, $4  }
0xfa: {  	v21 =	vsub.f32 $1.000000000e+00, v21  }
0xfb: {  	s21 =	sadd.s32 $0x20, s21;
	[tilespmem:s1+$0x0] =	vst v20;
	v20 =	vsub.f32 $1.000000000e+00, v63  }
0xfc: {  	s26 =	sadd.s32 $0x1, s26;
	s25 =	sadd.s32 $0x20, s25;
	s31 =	sadd.s32 $0x2, s29;
	[tilespmem:s14+$0x0] =	vst v21  }
0xfd: {  	s24 =	sadd.s32 $0x20, s24;
	s23 =	sadd.s32 $0x20, s23;
	s29 =	smov.u32 s31;
	[tilespmem:s2+$0x0] =	vst v20  }
0xfe: {  	s0 =	simm.s32 $0x2300  }
0xff: {  	[hbm4b:s8+s4] =	stream.linear.scatter [tilespmem:s0], [sflag:$0x1], $0x2000, $0x38;
	[tilespmem:$0x8300] =	vst v63  }
0x100: {  	s30 =	simm.s32 $0x4300  }
0x101: {  	[hbm4b:s9+s4] =	stream.linear.scatter [tilespmem:s30], [sflag:$0x1], $0x2000, $0x38;
	[tilespmem:$0x8300] =	vst v63  }
0x102: {  	s31 =	simm.s32 $0x6300  }
0x103: {  	[hbm4b:s10+s4] =	stream.linear.scatter [tilespmem:s31], [sflag:$0x1], $0x2000, $0x38;
	[tilespmem:$0x8300] =	vst v63  }
0x104: {  	_ =	swait.ge [sflag:s16], $0x2000  }
0x105: {  	[sflag:s16] =	ssyncset.done $0x0  }
0x106: {  	s22 =	sadd.s32 $0x1, s22;
	[sflag:s16] =	ssyncadd.s32 $0xFFFFE000  }
0x107: {  	p1 =	sne.s32 s22, s11;
	_ =	swait.ge [sflag:s16], $0x2000  }
.Ltmp3:
0x108: {  	[sflag:s16] =	ssyncset.done $0x0;
	(pc) =	sbr.rel @p1 .LBB2_1-.Ltmp3, $4  }
0x109: {  	[sflag:s16] =	ssyncadd.s32 $0xFFFFE000  }
0x10a: {  	_ =	swait.ge [sflag:s16], $0x2000  }
0x10b: {  	[sflag:s16] =	ssyncset.done $0x0  }
0x10c: {  	[sflag:s16] =	ssyncadd.s32 $0xFFFFE000  }
0x10d: {  	_ =	sfence.sel $0x180000  }
0x10e: {  	[bflag:$0x0] =	sbarrier.arrive $0xFFFF  }
0x10f: {  	_ =	strace $0x90000047  }
0x110: {  	s0 =	stileid.u32;
	[bflag:$0x2] =	sbarrier.arrive $0xFFFF  }
0x111: {  	p0 =	sne.s32 s0, $0x0;
	s0 =	rddreg [dreg:$0x6]  }
0x112: {  	s0 =	sadd.s32 @!p0 $0x100000, s0  }
0x113: {  	[sflag:s0] =	ssyncadd.tile.s32 @!p0 $0x1;
	_ =	shalt  }
.Lfunc_end2:
_tile_overlayer_lowered:
.L_overlay_start_2:
0x114: {  	(tag) =	ssettag $0x2  }
0x115: {  	s0 =	rddreg [dreg:$0x0];
	s2 =	stileid.u32  }
0x116: {  	s1 =	rddreg [dreg:$0x1];
	p0 =	sne.s32 s2, $0x0  }
0x117: {  	s3 =	rddreg [dreg:$0x2];
	[bflag:$0x3] =	sbarrier.arrive $0xFFFF;
	s2 =	simm.s32 @!p0 $0x1C04  }
0x118: {  	[timem:s3], [sflag:s2] =	dma.local @!p0 [hbm:s0], s1  }
0x119: {  	s0 =	simm.s32 @!p0 $0x4  }
0x11a: {  	_ =	swait.ge @!p0 [sflag:s0], s1  }
0x11b: {  	s1 =	ssub.s32 @!p0 $0x0, s1;
	[sflag:s0] =	ssyncset.done @!p0 $0x0  }
0x11c: {  	[sflag:s0] =	ssyncadd.s32 @!p0 s1  }
0x11d: {  	[bflag:$0x3] =	sbarrier.arrive $0xFFFF  }
0x11e: {  	_ =	shalt  }

</sc_bundles>
